<compile_context>
chip_gen: v7x
topology: tpu7x:2x2x1
jax: 0.10.2.dev20260603
libtpu: 0.0.44.dev20260713+nightly
codegen_flags: <defaults>
</compile_context>

<pallas_src>
import functools

import jax
import jax.numpy as jnp
from jax import lax
from jax.experimental import pallas as pl
from jax.experimental.pallas import tpu as pltpu
from jax.experimental.pallas import tpu_sc as plsc

N = 320000
NF = 4
TF = 8
D = 128
H = 128
F2 = 2 * H
VN = 10000
VR = 16
VT = 1000

NC = 2
NS = 16
NW = NC * NS
PER_W = N // NW
CH = 16
NCH = PER_W // CH
ROWS = NF * CH


def _project_body(ne_ref, ge_ref, wn_ref, wg_ref, bn_ref, bg_ref, pn_ref, pg_ref):
    pn_ref[...] = (jnp.dot(ne_ref[...], wn_ref[...],
                           preferred_element_type=jnp.float32) + bn_ref[...]) * 0.25
    pg_ref[...] = (jnp.dot(ge_ref[...], wg_ref[...],
                           preferred_element_type=jnp.float32) + bg_ref[...]) * 0.25


def _ab_body(te_ref, tf_ref, re_ref, wtm_ref, wts_ref, wrm_ref, wrs_ref,
             btm_ref, bts_ref, brm_ref, brs_ref, ab_ref):
    ids = lax.broadcasted_iota(jnp.int32, (TF, VT), 1)
    onehot = (ids == tf_ref[...]).astype(jnp.float32)
    cnt = jnp.sum(onehot, axis=0, keepdims=True) * (1.0 / TF)
    te = jnp.dot(cnt, te_ref[...], preferred_element_type=jnp.float32)
    mt = jnp.dot(te, wtm_ref[...], preferred_element_type=jnp.float32) + btm_ref[...]
    st = jnp.dot(te, wts_ref[...], preferred_element_type=jnp.float32) + bts_ref[...]
    mr = jnp.dot(re_ref[...], wrm_ref[...], preferred_element_type=jnp.float32) + brm_ref[...]
    sr = jnp.dot(re_ref[...], wrs_ref[...], preferred_element_type=jnp.float32) + brs_ref[...]
    ab_ref[:, :H] = mt * mr
    ab_ref[:, H:] = st + sr


_MESH = plsc.VectorSubcoreMesh(core_axis_name="c", subcore_axis_name="s")


@functools.partial(
    pl.kernel,
    mesh=_MESH,
    out_type=jax.ShapeDtypeStruct((N,), jnp.float32),
    compiler_params=pltpu.CompilerParams(needs_layout_passes=False),
    scratch_types=[
        pltpu.VMEM((ROWS,), jnp.int32),
        pltpu.VMEM((ROWS,), jnp.int32),
        pltpu.VMEM((ROWS,), jnp.int32),
        pltpu.VMEM((ROWS,), jnp.int32),
        pltpu.VMEM((CH,), jnp.int32),
        pltpu.VMEM((CH,), jnp.int32),
        pltpu.VMEM((ROWS, F2), jnp.float32),
        pltpu.VMEM((ROWS, F2), jnp.float32),
        pltpu.VMEM((ROWS, F2), jnp.float32),
        pltpu.VMEM((ROWS, F2), jnp.float32),
        pltpu.VMEM((VR, F2), jnp.float32),
        pltpu.VMEM((F2,), jnp.float32),
        pltpu.VMEM((PER_W,), jnp.float32),
        pltpu.SemaphoreType.DMA,
        pltpu.SemaphoreType.DMA,
        pltpu.SemaphoreType.DMA,
        pltpu.SemaphoreType.DMA,
        pltpu.SemaphoreType.DMA,
        pltpu.SemaphoreType.DMA,
        pltpu.SemaphoreType.DMA,
        pltpu.SemaphoreType.DMA,
        pltpu.SemaphoreType.DMA,
        pltpu.SemaphoreType.DMA,
    ],
)
def _sc_kernel(nf_hbm, gf_hbm, rel_hbm, pn_hbm, pg_hbm, ab_hbm, wb_hbm, out_hbm,
               idx_n0, idx_n1, idx_g0, idx_g1, idx_r0, idx_r1,
               rows_n0, rows_n1, rows_g0, rows_g1, ab_v, wb_v, out_v,
               s_n0, s_n1, s_g0, s_g1, s_r0, s_r1, s_rn0, s_rn1, s_rg0, s_rg1):
    wid = lax.axis_index("s") * NC + lax.axis_index("c")
    base = wid * PER_W

    pltpu.sync_copy(ab_hbm, ab_v)
    pltpu.sync_copy(wb_hbm, wb_v)

    bufs = (
        (idx_n0, idx_g0, idx_r0, rows_n0, rows_g0, s_n0, s_g0, s_r0, s_rn0, s_rg0),
        (idx_n1, idx_g1, idx_r1, rows_n1, rows_g1, s_n1, s_g1, s_r1, s_rn1, s_rg1),
    )

    def idx_copies(c, b):
        cb = base + c * CH
        return (
            pltpu.make_async_copy(nf_hbm.at[pl.ds(cb * NF, ROWS)], b[0], b[5]),
            pltpu.make_async_copy(gf_hbm.at[pl.ds(cb * NF, ROWS)], b[1], b[6]),
            pltpu.make_async_copy(rel_hbm.at[pl.ds(cb, CH)], b[2], b[7]),
        )

    def row_copies(b):
        return (
            pltpu.make_async_copy(pn_hbm.at[b[0]], b[3], b[8]),
            pltpu.make_async_copy(pg_hbm.at[b[1]], b[4], b[9]),
        )

    iota = lax.iota(jnp.int32, CH)
    row_k = [iota * NF + k for k in range(NF)]
    bvec = None

    def compute(c, b):
        rv = b[2][...]
        rows_n = b[3]
        rows_g = b[4]

        def hbody(h, acc):
            hv = jnp.full((CH,), h, jnp.int32)
            hv2 = hv + H
            mn = (plsc.load_gather(rows_n, [row_k[0], hv])
                  + plsc.load_gather(rows_n, [row_k[1], hv])
                  + plsc.load_gather(rows_n, [row_k[2], hv])
                  + plsc.load_gather(rows_n, [row_k[3], hv]))
            sn = (plsc.load_gather(rows_n, [row_k[0], hv2])
                  + plsc.load_gather(rows_n, [row_k[1], hv2])
                  + plsc.load_gather(rows_n, [row_k[2], hv2])
                  + plsc.load_gather(rows_n, [row_k[3], hv2]))
            mg = (plsc.load_gather(rows_g, [row_k[0], hv])
                  + plsc.load_gather(rows_g, [row_k[1], hv])
                  + plsc.load_gather(rows_g, [row_k[2], hv])
                  + plsc.load_gather(rows_g, [row_k[3], hv]))
            sg = (plsc.load_gather(rows_g, [row_k[0], hv2])
                  + plsc.load_gather(rows_g, [row_k[1], hv2])
                  + plsc.load_gather(rows_g, [row_k[2], hv2])
                  + plsc.load_gather(rows_g, [row_k[3], hv2]))
            a = plsc.load_gather(ab_v, [rv, hv])
            bb = plsc.load_gather(ab_v, [rv, hv2])
            w = plsc.load_gather(wb_v, [hv])
            hid = jnp.maximum(a * mn * mg + bb + sn + sg, 0.0)
            return acc + hid * w

        acc = lax.fori_loop(0, H, hbody, jnp.zeros((CH,), jnp.float32))
        out_v[pl.ds(c * CH, CH)] = acc + bvec

    d0 = idx_copies(0, bufs[0])
    for x in d0:
        x.start()
    d1 = idx_copies(1, bufs[1])
    for x in d1:
        x.start()
    for x in d0:
        x.wait()
    for x in row_copies(bufs[0]):
        x.start()

    bvec = plsc.load_gather(wb_v, [jnp.full((CH,), H, jnp.int32)])

    def do_chunk(c, cur, nxt):
        for x in row_copies(cur):
            x.wait()

        @pl.when(c + 1 < NCH)
        def _():
            for x in idx_copies(c + 1, nxt):
                x.wait()
            for x in row_copies(nxt):
                x.start()

        @pl.when(c + 2 < NCH)
        def _():
            for x in idx_copies(c + 2, cur):
                x.start()

        compute(c, cur)

    def loop_body(g, carry):
        c0 = 2 * g
        do_chunk(c0, bufs[0], bufs[1])

        @pl.when(c0 + 1 < NCH)
        def _():
            do_chunk(c0 + 1, bufs[1], bufs[0])

        return carry

    lax.fori_loop(0, (NCH + 1) // 2, loop_body, 0)
    pltpu.sync_copy(out_v, out_hbm.at[pl.ds(base, PER_W)])


def kernel(task_features, node_features, neighbor_relations, neighbor_features,
           task_emb, node_emb, rel_emb, neigh_emb,
           W_task_mul, b_task_mul, W_node_mul, b_node_mul,
           W_rel_mul, b_rel_mul, W_neigh_mul, b_neigh_mul,
           W_task_sum, b_task_sum, W_node_sum, b_node_sum,
           W_rel_sum, b_rel_sum, W_neigh_sum, b_neigh_sum,
           W_out, b_out):
    nf = node_features.astype(jnp.int32).reshape(-1)
    gf = neighbor_features.astype(jnp.int32).reshape(-1)
    rel = neighbor_relations.astype(jnp.int32)
    tf2 = task_features.astype(jnp.int32).reshape(TF, 1)

    wn = jnp.concatenate([W_node_mul, W_node_sum], axis=1)
    wg = jnp.concatenate([W_neigh_mul, W_neigh_sum], axis=1)
    bn = jnp.concatenate([b_node_mul, b_node_sum]).reshape(1, F2)
    bg = jnp.concatenate([b_neigh_mul, b_neigh_sum]).reshape(1, F2)

    blk = VN // 5
    pn, pg = pl.pallas_call(
        _project_body,
        grid=(5,),
        in_specs=[
            pl.BlockSpec((blk, D), lambda i: (i, 0)),
            pl.BlockSpec((blk, D), lambda i: (i, 0)),
            pl.BlockSpec((D, F2), lambda i: (0, 0)),
            pl.BlockSpec((D, F2), lambda i: (0, 0)),
            pl.BlockSpec((1, F2), lambda i: (0, 0)),
            pl.BlockSpec((1, F2), lambda i: (0, 0)),
        ],
        out_specs=[
            pl.BlockSpec((blk, F2), lambda i: (i, 0)),
            pl.BlockSpec((blk, F2), lambda i: (i, 0)),
        ],
        out_shape=[
            jax.ShapeDtypeStruct((VN, F2), jnp.float32),
            jax.ShapeDtypeStruct((VN, F2), jnp.float32),
        ],
    )(node_emb, neigh_emb, wn, wg, bn, bg)

    ab = pl.pallas_call(
        _ab_body,
        out_shape=jax.ShapeDtypeStruct((VR, F2), jnp.float32),
    )(task_emb, tf2, rel_emb, W_task_mul, W_task_sum, W_rel_mul, W_rel_sum,
      b_task_mul.reshape(1, H), b_task_sum.reshape(1, H),
      b_rel_mul.reshape(1, H), b_rel_sum.reshape(1, H))

    wb = jnp.zeros((F2,), jnp.float32).at[:H].set(W_out[:, 0]).at[H].set(b_out[0])

    return _sc_kernel(nf, gf, rel, pn, pg, ab, wb)

# --- scband reference (transcript-rebuilt; emitter-appended) ---
"""Pipeline reference for scband-generalized-multiplicative-agent-model-65670049956476 (READ-ONLY COPY).

The authoritative reference and input builder live on the scoring server;
editing this copy changes nothing except your own understanding.
"""

import jax, jax.numpy as jnp
import numpy as np

N = 320000
NF = 4
TF = 8
D = 128
H = 128
TASK_VOCAB = 1000
NODE_VOCAB = 10000
REL_VOCAB = 16


def setup_inputs(seed: int = 0) -> dict:
    key = jax.random.key(seed)
    ks = jax.random.split(key, 32)
    inp = {}
    inp['task_features'] = jax.random.randint(ks[0], (TF,), 0, TASK_VOCAB)
    inp['node_features'] = jax.random.randint(ks[1], (N, NF), 0, NODE_VOCAB)
    inp['neighbor_relations'] = jax.random.randint(ks[2], (N,), 0, REL_VOCAB)
    inp['neighbor_features'] = jax.random.randint(ks[3], (N, NF), 0, NODE_VOCAB)
    inp['task_emb'] = jax.random.normal(ks[4], (TASK_VOCAB, D), dtype=jnp.float32) * 0.02
    inp['node_emb'] = jax.random.normal(ks[5], (NODE_VOCAB, D), dtype=jnp.float32) * 0.02
    inp['rel_emb'] = jax.random.normal(ks[6], (REL_VOCAB, D), dtype=jnp.float32) * 0.02
    inp['neigh_emb'] = jax.random.normal(ks[7], (NODE_VOCAB, D), dtype=jnp.float32) * 0.02
    scale = 1.0 / np.sqrt(D)
    names = ['task', 'node', 'rel', 'neigh']
    for i, nm in enumerate(names):
        inp['W_%s_mul' % nm] = jax.random.normal(ks[8 + i], (D, H), dtype=jnp.float32) * scale
        inp['b_%s_mul' % nm] = jnp.zeros((H,), dtype=jnp.float32)
        inp['W_%s_sum' % nm] = jax.random.normal(ks[12 + i], (D, H), dtype=jnp.float32) * scale
        inp['b_%s_sum' % nm] = jnp.zeros((H,), dtype=jnp.float32)
    inp['W_out'] = jax.random.normal(ks[16], (H, 1), dtype=jnp.float32) * (1.0 / np.sqrt(H))
    inp['b_out'] = jnp.zeros((1,), dtype=jnp.float32)
    return inp


def reference(task_features, node_features, neighbor_relations, neighbor_features,
              task_emb, node_emb, rel_emb, neigh_emb,
              W_task_mul, b_task_mul, W_node_mul, b_node_mul,
              W_rel_mul, b_rel_mul, W_neigh_mul, b_neigh_mul,
              W_task_sum, b_task_sum, W_node_sum, b_node_sum,
              W_rel_sum, b_rel_sum, W_neigh_sum, b_neigh_sum,
              W_out, b_out):
    n = node_features.shape[0]
    # Embedding lookups (SparseCore-style gathers)
    t_e = jnp.mean(jnp.take(task_emb, task_features, axis=0), axis=0)  # [D]
    t_e = jnp.broadcast_to(t_e[None, :], (n, t_e.shape[0]))            # [N, D]
    n_e = jnp.mean(jnp.take(node_emb, node_features, axis=0), axis=1)  # [N, D]
    r_e = jnp.take(rel_emb, neighbor_relations, axis=0)                # [N, D]
    g_e = jnp.mean(jnp.take(neigh_emb, neighbor_features, axis=0), axis=1)  # [N, D]
    # Multiplicative (FiLM-style) hidden branch
    m_t = t_e @ W_task_mul + b_task_mul
    m_n = n_e @ W_node_mul + b_node_mul
    m_r = r_e @ W_rel_mul + b_rel_mul
    m_g = g_e @ W_neigh_mul + b_neigh_mul
    mul_hidden = m_t * m_n * m_r * m_g
    # Additive hidden branch
    s_t = t_e @ W_task_sum + b_task_sum
    s_n = n_e @ W_node_sum + b_node_sum
    s_r = r_e @ W_rel_sum + b_rel_sum
    s_g = g_e @ W_neigh_sum + b_neigh_sum
    sum_hidden = s_t + s_n + s_r + s_g
    hidden = jax.nn.relu(mul_hidden + sum_hidden)
    logits = (hidden @ W_out + b_out)[:, 0]  # [N]
    return logits

if __name__ == "__main__":
    import jax
    _d = setup_inputs()
    print(jax.jit(kernel)(*tuple(_d.values())))

</pallas_src>

<mosaic_0001>
#map = affine_map<(d0, d1) -> (0)>
#map1 = affine_map<(d0, d1) -> (0, 0)>
module attributes {stable_mosaic.version = 14 : i64} {
  func.func @_sc_kernel(%arg0: i32, %arg1: i32, %arg2: memref<1280000xi32, #tpu.memory_space<hbm>>, %arg3: memref<1280000xi32, #tpu.memory_space<hbm>>, %arg4: memref<320000xi32, #tpu.memory_space<hbm>>, %arg5: memref<10000x256xf32, #tpu.memory_space<hbm>>, %arg6: memref<10000x256xf32, #tpu.memory_space<hbm>>, %arg7: memref<16x256xf32, #tpu.memory_space<hbm>>, %arg8: memref<256xf32, #tpu.memory_space<hbm>>, %arg9: memref<320000xf32, #tpu.memory_space<hbm>>, %arg10: memref<64xi32, #tpu.memory_space<vmem>>, %arg11: memref<64xi32, #tpu.memory_space<vmem>>, %arg12: memref<64xi32, #tpu.memory_space<vmem>>, %arg13: memref<64xi32, #tpu.memory_space<vmem>>, %arg14: memref<16xi32, #tpu.memory_space<vmem>>, %arg15: memref<16xi32, #tpu.memory_space<vmem>>, %arg16: memref<64x256xf32, #tpu.memory_space<vmem>>, %arg17: memref<64x256xf32, #tpu.memory_space<vmem>>, %arg18: memref<64x256xf32, #tpu.memory_space<vmem>>, %arg19: memref<64x256xf32, #tpu.memory_space<vmem>>, %arg20: memref<16x256xf32, #tpu.memory_space<vmem>>, %arg21: memref<256xf32, #tpu.memory_space<vmem>>, %arg22: memref<10000xf32, #tpu.memory_space<vmem>>, %arg23: memref<!tpu.dma_semaphore, #tpu.memory_space<semaphore_mem>>, %arg24: memref<!tpu.dma_semaphore, #tpu.memory_space<semaphore_mem>>, %arg25: memref<!tpu.dma_semaphore, #tpu.memory_space<semaphore_mem>>, %arg26: memref<!tpu.dma_semaphore, #tpu.memory_space<semaphore_mem>>, %arg27: memref<!tpu.dma_semaphore, #tpu.memory_space<semaphore_mem>>, %arg28: memref<!tpu.dma_semaphore, #tpu.memory_space<semaphore_mem>>, %arg29: memref<!tpu.dma_semaphore, #tpu.memory_space<semaphore_mem>>, %arg30: memref<!tpu.dma_semaphore, #tpu.memory_space<semaphore_mem>>, %arg31: memref<!tpu.dma_semaphore, #tpu.memory_space<semaphore_mem>>, %arg32: memref<!tpu.dma_semaphore, #tpu.memory_space<semaphore_mem>>) attributes {dimension_semantics = [#tpu.dimension_semantics<core_parallel>, #tpu.dimension_semantics<subcore_parallel>], iteration_bounds = array<i64: 2, 16>, scalar_prefetch = 0 : i64, scratch_operands = 23 : i64, tpu.core_type = #tpu.core_type<sc_vector_subcore>, window_params = [{transform_indices = #map}, {transform_indices = #map}, {transform_indices = #map}, {transform_indices = #map1}, {transform_indices = #map1}, {transform_indices = #map1}, {transform_indices = #map}, {transform_indices = #map}]} {
    %mul3A = arith.constant 2 : i32
    %mul3A_0 = arith.muli %arg1, %mul3A : i32
    %add3A = arith.addi %mul3A_0, %arg0 : i32
    %mul3A_1 = arith.constant 10000 : i32
    %mul3A_2 = arith.muli %add3A, %mul3A_1 : i32
    "tpu.region"() ({
      %run_scoped3A = tpu.sem_alloc : memref<!tpu.dma_semaphore, #tpu.memory_space<semaphore_mem>>
      tpu.enqueue_dma source(%arg7 : memref<16x256xf32, #tpu.memory_space<hbm>>) target(%arg20 : memref<16x256xf32, #tpu.memory_space<vmem>>) target_semaphore(%run_scoped3A : memref<!tpu.dma_semaphore, #tpu.memory_space<semaphore_mem>>)
      tpu.wait_dma2 semaphore(%run_scoped3A : memref<!tpu.dma_semaphore, #tpu.memory_space<semaphore_mem>>) src(%arg7 : memref<16x256xf32, #tpu.memory_space<hbm>>) dst(%arg20 : memref<16x256xf32, #tpu.memory_space<vmem>>)
      tpu.yield
    }) : () -> ()
    "tpu.region"() ({
      %run_scoped3A = tpu.sem_alloc : memref<!tpu.dma_semaphore, #tpu.memory_space<semaphore_mem>>
      tpu.enqueue_dma source(%arg8 : memref<256xf32, #tpu.memory_space<hbm>>) target(%arg21 : memref<256xf32, #tpu.memory_space<vmem>>) target_semaphore(%run_scoped3A : memref<!tpu.dma_semaphore, #tpu.memory_space<semaphore_mem>>)
      tpu.wait_dma2 semaphore(%run_scoped3A : memref<!tpu.dma_semaphore, #tpu.memory_space<semaphore_mem>>) src(%arg8 : memref<256xf32, #tpu.memory_space<hbm>>) dst(%arg21 : memref<256xf32, #tpu.memory_space<vmem>>)
      tpu.yield
    }) : () -> ()
    %iota3A = tpu.iota {dimensions = array<i32: 0>} : vector<16xi32>
    %mul3A_3 = arith.constant 4 : i32
    %mul3A_4 = vector.broadcast %mul3A_3 : i32 to vector<16xi32>
    %mul3A_5 = arith.muli %iota3A, %mul3A_4 : vector<16xi32>
    %add3A_6 = arith.constant 0 : i32
    %add3A_7 = vector.broadcast %add3A_6 : i32 to vector<16xi32>
    %add3A_8 = arith.addi %mul3A_5, %add3A_7 : vector<16xi32>
    %mul3A_9 = arith.constant 4 : i32
    %mul3A_10 = vector.broadcast %mul3A_9 : i32 to vector<16xi32>
    %mul3A_11 = arith.muli %iota3A, %mul3A_10 : vector<16xi32>
    %add3A_12 = arith.constant 1 : i32
    %add3A_13 = vector.broadcast %add3A_12 : i32 to vector<16xi32>
    %add3A_14 = arith.addi %mul3A_11, %add3A_13 : vector<16xi32>
    %mul3A_15 = arith.constant 4 : i32
    %mul3A_16 = vector.broadcast %mul3A_15 : i32 to vector<16xi32>
    %mul3A_17 = arith.muli %iota3A, %mul3A_16 : vector<16xi32>
    %add3A_18 = arith.constant 2 : i32
    %add3A_19 = vector.broadcast %add3A_18 : i32 to vector<16xi32>
    %add3A_20 = arith.addi %mul3A_17, %add3A_19 : vector<16xi32>
    %mul3A_21 = arith.constant 4 : i32
    %mul3A_22 = vector.broadcast %mul3A_21 : i32 to vector<16xi32>
    %mul3A_23 = arith.muli %iota3A, %mul3A_22 : vector<16xi32>
    %add3A_24 = arith.constant 3 : i32
    %add3A_25 = vector.broadcast %add3A_24 : i32 to vector<16xi32>
    %add3A_26 = arith.addi %mul3A_23, %add3A_25 : vector<16xi32>
    %add3A_27 = arith.constant 0 : i32
    %add3A_28 = arith.addi %mul3A_2, %add3A_27 : i32
    %mul3A_29 = arith.constant 4 : i32
    %mul3A_30 = arith.muli %add3A_28, %mul3A_29 : i32
    %mul3A_31 = arith.constant 4 : i32
    %mul3A_32 = arith.muli %add3A_28, %mul3A_31 : i32
    %dma_start3A = tpu.memref_slice %arg2[%mul3A_30] : memref<1280000xi32, #tpu.memory_space<hbm>> -> memref<64xi32, #tpu.memory_space<hbm>>
    %dma_start3A_33 = tpu.memref_slice %arg2[%mul3A_30] : memref<1280000xi32, #tpu.memory_space<hbm>> -> memref<64xi32, #tpu.memory_space<hbm>>
    tpu.enqueue_dma source(%dma_start3A_33 : memref<64xi32, #tpu.memory_space<hbm>>) target(%arg10 : memref<64xi32, #tpu.memory_space<vmem>>) target_semaphore(%arg23 : memref<!tpu.dma_semaphore, #tpu.memory_space<semaphore_mem>>)
    %dma_start3A_34 = tpu.memref_slice %arg3[%mul3A_32] : memref<1280000xi32, #tpu.memory_space<hbm>> -> memref<64xi32, #tpu.memory_space<hbm>>
    %dma_start3A_35 = tpu.memref_slice %arg3[%mul3A_32] : memref<1280000xi32, #tpu.memory_space<hbm>> -> memref<64xi32, #tpu.memory_space<hbm>>
    tpu.enqueue_dma source(%dma_start3A_35 : memref<64xi32, #tpu.memory_space<hbm>>) target(%arg12 : memref<64xi32, #tpu.memory_space<vmem>>) target_semaphore(%arg25 : memref<!tpu.dma_semaphore, #tpu.memory_space<semaphore_mem>>)
    %dma_start3A_36 = tpu.memref_slice %arg4[%add3A_28] : memref<320000xi32, #tpu.memory_space<hbm>> -> memref<16xi32, #tpu.memory_space<hbm>>
    %dma_start3A_37 = tpu.memref_slice %arg4[%add3A_28] : memref<320000xi32, #tpu.memory_space<hbm>> -> memref<16xi32, #tpu.memory_space<hbm>>
    tpu.enqueue_dma source(%dma_start3A_37 : memref<16xi32, #tpu.memory_space<hbm>>) target(%arg14 : memref<16xi32, #tpu.memory_space<vmem>>) target_semaphore(%arg27 : memref<!tpu.dma_semaphore, #tpu.memory_space<semaphore_mem>>)
    %add3A_38 = arith.constant 16 : i32
    %add3A_39 = arith.addi %mul3A_2, %add3A_38 : i32
    %mul3A_40 = arith.constant 4 : i32
    %mul3A_41 = arith.muli %add3A_39, %mul3A_40 : i32
    %mul3A_42 = arith.constant 4 : i32
    %mul3A_43 = arith.muli %add3A_39, %mul3A_42 : i32
    %dma_start3A_44 = tpu.memref_slice %arg2[%mul3A_41] : memref<1280000xi32, #tpu.memory_space<hbm>> -> memref<64xi32, #tpu.memory_space<hbm>>
    %dma_start3A_45 = tpu.memref_slice %arg2[%mul3A_41] : memref<1280000xi32, #tpu.memory_space<hbm>> -> memref<64xi32, #tpu.memory_space<hbm>>
    tpu.enqueue_dma source(%dma_start3A_45 : memref<64xi32, #tpu.memory_space<hbm>>) target(%arg11 : memref<64xi32, #tpu.memory_space<vmem>>) target_semaphore(%arg24 : memref<!tpu.dma_semaphore, #tpu.memory_space<semaphore_mem>>)
    %dma_start3A_46 = tpu.memref_slice %arg3[%mul3A_43] : memref<1280000xi32, #tpu.memory_space<hbm>> -> memref<64xi32, #tpu.memory_space<hbm>>
    %dma_start3A_47 = tpu.memref_slice %arg3[%mul3A_43] : memref<1280000xi32, #tpu.memory_space<hbm>> -> memref<64xi32, #tpu.memory_space<hbm>>
    tpu.enqueue_dma source(%dma_start3A_47 : memref<64xi32, #tpu.memory_space<hbm>>) target(%arg13 : memref<64xi32, #tpu.memory_space<vmem>>) target_semaphore(%arg26 : memref<!tpu.dma_semaphore, #tpu.memory_space<semaphore_mem>>)
    %dma_start3A_48 = tpu.memref_slice %arg4[%add3A_39] : memref<320000xi32, #tpu.memory_space<hbm>> -> memref<16xi32, #tpu.memory_space<hbm>>
    %dma_start3A_49 = tpu.memref_slice %arg4[%add3A_39] : memref<320000xi32, #tpu.memory_space<hbm>> -> memref<16xi32, #tpu.memory_space<hbm>>
    tpu.enqueue_dma source(%dma_start3A_49 : memref<16xi32, #tpu.memory_space<hbm>>) target(%arg15 : memref<16xi32, #tpu.memory_space<vmem>>) target_semaphore(%arg28 : memref<!tpu.dma_semaphore, #tpu.memory_space<semaphore_mem>>)
    %dma_wait3A = tpu.memref_slice %arg2[%mul3A_30] : memref<1280000xi32, #tpu.memory_space<hbm>> -> memref<64xi32, #tpu.memory_space<hbm>>
    %dma_wait3A_50 = tpu.memref_slice %arg2[%mul3A_30] : memref<1280000xi32, #tpu.memory_space<hbm>> -> memref<64xi32, #tpu.memory_space<hbm>>
    tpu.wait_dma2 semaphore(%arg23 : memref<!tpu.dma_semaphore, #tpu.memory_space<semaphore_mem>>) src(%dma_wait3A_50 : memref<64xi32, #tpu.memory_space<hbm>>) dst(%arg10 : memref<64xi32, #tpu.memory_space<vmem>>)
    %dma_wait3A_51 = tpu.memref_slice %arg3[%mul3A_32] : memref<1280000xi32, #tpu.memory_space<hbm>> -> memref<64xi32, #tpu.memory_space<hbm>>
    %dma_wait3A_52 = tpu.memref_slice %arg3[%mul3A_32] : memref<1280000xi32, #tpu.memory_space<hbm>> -> memref<64xi32, #tpu.memory_space<hbm>>
    tpu.wait_dma2 semaphore(%arg25 : memref<!tpu.dma_semaphore, #tpu.memory_space<semaphore_mem>>) src(%dma_wait3A_52 : memref<64xi32, #tpu.memory_space<hbm>>) dst(%arg12 : memref<64xi32, #tpu.memory_space<vmem>>)
    %dma_wait3A_53 = tpu.memref_slice %arg4[%add3A_28] : memref<320000xi32, #tpu.memory_space<hbm>> -> memref<16xi32, #tpu.memory_space<hbm>>
    %dma_wait3A_54 = tpu.memref_slice %arg4[%add3A_28] : memref<320000xi32, #tpu.memory_space<hbm>> -> memref<16xi32, #tpu.memory_space<hbm>>
    tpu.wait_dma2 semaphore(%arg27 : memref<!tpu.dma_semaphore, #tpu.memory_space<semaphore_mem>>) src(%dma_wait3A_54 : memref<16xi32, #tpu.memory_space<hbm>>) dst(%arg14 : memref<16xi32, #tpu.memory_space<vmem>>)
    %dma_start3A_55 = arith.constant 0 : i32
    %dma_start3A_56 = arith.constant 0 : i32
    %dma_start3A_57 = tpu.memref_slice %arg5[%dma_start3A_55, %dma_start3A_56] : memref<10000x256xf32, #tpu.memory_space<hbm>> -> memref<10000x256xf32, #tpu.memory_space<hbm>>
    tpu.enqueue_indirect_dma source(%dma_start3A_57 : memref<10000x256xf32, #tpu.memory_space<hbm>>) target(%arg16 : memref<64x256xf32, #tpu.memory_space<vmem>>) offsets(%arg10 : memref<64xi32, #tpu.memory_space<vmem>>) semaphore(%arg29 : memref<!tpu.dma_semaphore, #tpu.memory_space<semaphore_mem>>)
    %dma_start3A_58 = arith.constant 0 : i32
    %dma_start3A_59 = arith.constant 0 : i32
    %dma_start3A_60 = tpu.memref_slice %arg6[%dma_start3A_58, %dma_start3A_59] : memref<10000x256xf32, #tpu.memory_space<hbm>> -> memref<10000x256xf32, #tpu.memory_space<hbm>>
    tpu.enqueue_indirect_dma source(%dma_start3A_60 : memref<10000x256xf32, #tpu.memory_space<hbm>>) target(%arg18 : memref<64x256xf32, #tpu.memory_space<vmem>>) offsets(%arg12 : memref<64xi32, #tpu.memory_space<vmem>>) semaphore(%arg31 : memref<!tpu.dma_semaphore, #tpu.memory_space<semaphore_mem>>)
    %broadcast_in_dim3A = arith.constant 128 : i32
    %broadcast_in_dim3A_61 = vector.broadcast %broadcast_in_dim3A : i32 to vector<16xi32>
    %gather3A = tpu.vector_load_idx %arg21[%broadcast_in_dim3A_61] : memref<256xf32, #tpu.memory_space<vmem>>[vector<16xi32>], vector<16xf32>,
    %scan3A = arith.constant 0 : i32
    %scan3A_62 = arith.constant 0 : i32
    %scan3A_63 = arith.constant 313 : i32
    %scan3A_64 = arith.addi %scan3A_62, %scan3A_63 : i32
    %scan3A_65 = arith.constant 1 : i32
    scf.for %scan3A_67 = %scan3A_62 to %scan3A_64 step %scan3A_65  : i32 {
      %mul3A_68 = arith.constant 2 : i32
      %mul3A_69 = arith.muli %mul3A_68, %scan3A_67 : i32
      %dma_wait3A_70 = arith.constant 0 : i32
      %dma_wait3A_71 = arith.constant 0 : i32
      %dma_wait3A_72 = tpu.memref_slice %arg5[%dma_wait3A_70, %dma_wait3A_71] : memref<10000x256xf32, #tpu.memory_space<hbm>> -> memref<10000x256xf32, #tpu.memory_space<hbm>>
      tpu.wait_indirect_dma semaphore(%arg29 : memref<!tpu.dma_semaphore, #tpu.memory_space<semaphore_mem>>) src(%dma_wait3A_72 : memref<10000x256xf32, #tpu.memory_space<hbm>>) dst(%arg16 : memref<64x256xf32, #tpu.memory_space<vmem>>)
      %dma_wait3A_73 = arith.constant 0 : i32
      %dma_wait3A_74 = arith.constant 0 : i32
      %dma_wait3A_75 = tpu.memref_slice %arg6[%dma_wait3A_73, %dma_wait3A_74] : memref<10000x256xf32, #tpu.memory_space<hbm>> -> memref<10000x256xf32, #tpu.memory_space<hbm>>
      tpu.wait_indirect_dma semaphore(%arg31 : memref<!tpu.dma_semaphore, #tpu.memory_space<semaphore_mem>>) src(%dma_wait3A_75 : memref<10000x256xf32, #tpu.memory_space<hbm>>) dst(%arg18 : memref<64x256xf32, #tpu.memory_space<vmem>>)
      %add3A_76 = arith.constant 1 : i32
      %add3A_77 = arith.addi %mul3A_69, %add3A_76 : i32
      %lt3A = arith.constant 625 : i32
      %lt3A_78 = arith.cmpi slt, %add3A_77, %lt3A : i32
      %convert_element_type3A = arith.extui %lt3A_78 : i1 to i32
      %cond3A = arith.constant 0 : i32
      %cond3A_79 = arith.cmpi ne, %convert_element_type3A, %cond3A : i32
      scf.if %cond3A_79 {
        %add3A_107 = arith.constant 1 : i32
        %add3A_108 = arith.addi %mul3A_69, %add3A_107 : i32
        %mul3A_109 = arith.constant 16 : i32
        %mul3A_110 = arith.muli %add3A_108, %mul3A_109 : i32
        %add3A_111 = arith.addi %mul3A_2, %mul3A_110 : i32
        %mul3A_112 = arith.constant 4 : i32
        %mul3A_113 = arith.muli %add3A_111, %mul3A_112 : i32
        %mul3A_114 = arith.constant 4 : i32
        %mul3A_115 = arith.muli %add3A_111, %mul3A_114 : i32
        %dma_wait3A_116 = tpu.memref_slice %arg2[%mul3A_113] : memref<1280000xi32, #tpu.memory_space<hbm>> -> memref<64xi32, #tpu.memory_space<hbm>>
        %dma_wait3A_117 = tpu.memref_slice %arg2[%mul3A_113] : memref<1280000xi32, #tpu.memory_space<hbm>> -> memref<64xi32, #tpu.memory_space<hbm>>
        tpu.wait_dma2 semaphore(%arg24 : memref<!tpu.dma_semaphore, #tpu.memory_space<semaphore_mem>>) src(%dma_wait3A_117 : memref<64xi32, #tpu.memory_space<hbm>>) dst(%arg11 : memref<64xi32, #tpu.memory_space<vmem>>)
        %dma_wait3A_118 = tpu.memref_slice %arg3[%mul3A_115] : memref<1280000xi32, #tpu.memory_space<hbm>> -> memref<64xi32, #tpu.memory_space<hbm>>
        %dma_wait3A_119 = tpu.memref_slice %arg3[%mul3A_115] : memref<1280000xi32, #tpu.memory_space<hbm>> -> memref<64xi32, #tpu.memory_space<hbm>>
        tpu.wait_dma2 semaphore(%arg26 : memref<!tpu.dma_semaphore, #tpu.memory_space<semaphore_mem>>) src(%dma_wait3A_119 : memref<64xi32, #tpu.memory_space<hbm>>) dst(%arg13 : memref<64xi32, #tpu.memory_space<vmem>>)
        %dma_wait3A_120 = tpu.memref_slice %arg4[%add3A_111] : memref<320000xi32, #tpu.memory_space<hbm>> -> memref<16xi32, #tpu.memory_space<hbm>>
        %dma_wait3A_121 = tpu.memref_slice %arg4[%add3A_111] : memref<320000xi32, #tpu.memory_space<hbm>> -> memref<16xi32, #tpu.memory_space<hbm>>
        tpu.wait_dma2 semaphore(%arg28 : memref<!tpu.dma_semaphore, #tpu.memory_space<semaphore_mem>>) src(%dma_wait3A_121 : memref<16xi32, #tpu.memory_space<hbm>>) dst(%arg15 : memref<16xi32, #tpu.memory_space<vmem>>)
        %dma_start3A_122 = arith.constant 0 : i32
        %dma_start3A_123 = arith.constant 0 : i32
        %dma_start3A_124 = tpu.memref_slice %arg5[%dma_start3A_122, %dma_start3A_123] : memref<10000x256xf32, #tpu.memory_space<hbm>> -> memref<10000x256xf32, #tpu.memory_space<hbm>>
        tpu.enqueue_indirect_dma source(%dma_start3A_124 : memref<10000x256xf32, #tpu.memory_space<hbm>>) target(%arg17 : memref<64x256xf32, #tpu.memory_space<vmem>>) offsets(%arg11 : memref<64xi32, #tpu.memory_space<vmem>>) semaphore(%arg30 : memref<!tpu.dma_semaphore, #tpu.memory_space<semaphore_mem>>)
        %dma_start3A_125 = arith.constant 0 : i32
        %dma_start3A_126 = arith.constant 0 : i32
        %dma_start3A_127 = tpu.memref_slice %arg6[%dma_start3A_125, %dma_start3A_126] : memref<10000x256xf32, #tpu.memory_space<hbm>> -> memref<10000x256xf32, #tpu.memory_space<hbm>>
        tpu.enqueue_indirect_dma source(%dma_start3A_127 : memref<10000x256xf32, #tpu.memory_space<hbm>>) target(%arg19 : memref<64x256xf32, #tpu.memory_space<vmem>>) offsets(%arg13 : memref<64xi32, #tpu.memory_space<vmem>>) semaphore(%arg32 : memref<!tpu.dma_semaphore, #tpu.memory_space<semaphore_mem>>)
      } else {
      }
      %add3A_80 = arith.constant 2 : i32
      %add3A_81 = arith.addi %mul3A_69, %add3A_80 : i32
      %lt3A_82 = arith.constant 625 : i32
      %lt3A_83 = arith.cmpi slt, %add3A_81, %lt3A_82 : i32
      %convert_element_type3A_84 = arith.extui %lt3A_83 : i1 to i32
      %cond3A_85 = arith.constant 0 : i32
      %cond3A_86 = arith.cmpi ne, %convert_element_type3A_84, %cond3A_85 : i32
      scf.if %cond3A_86 {
        %add3A_107 = arith.constant 2 : i32
        %add3A_108 = arith.addi %mul3A_69, %add3A_107 : i32
        %mul3A_109 = arith.constant 16 : i32
        %mul3A_110 = arith.muli %add3A_108, %mul3A_109 : i32
        %add3A_111 = arith.addi %mul3A_2, %mul3A_110 : i32
        %mul3A_112 = arith.constant 4 : i32
        %mul3A_113 = arith.muli %add3A_111, %mul3A_112 : i32
        %mul3A_114 = arith.constant 4 : i32
        %mul3A_115 = arith.muli %add3A_111, %mul3A_114 : i32
        %dma_start3A_116 = tpu.memref_slice %arg2[%mul3A_113] : memref<1280000xi32, #tpu.memory_space<hbm>> -> memref<64xi32, #tpu.memory_space<hbm>>
        %dma_start3A_117 = tpu.memref_slice %arg2[%mul3A_113] : memref<1280000xi32, #tpu.memory_space<hbm>> -> memref<64xi32, #tpu.memory_space<hbm>>
        tpu.enqueue_dma source(%dma_start3A_117 : memref<64xi32, #tpu.memory_space<hbm>>) target(%arg10 : memref<64xi32, #tpu.memory_space<vmem>>) target_semaphore(%arg23 : memref<!tpu.dma_semaphore, #tpu.memory_space<semaphore_mem>>)
        %dma_start3A_118 = tpu.memref_slice %arg3[%mul3A_115] : memref<1280000xi32, #tpu.memory_space<hbm>> -> memref<64xi32, #tpu.memory_space<hbm>>
        %dma_start3A_119 = tpu.memref_slice %arg3[%mul3A_115] : memref<1280000xi32, #tpu.memory_space<hbm>> -> memref<64xi32, #tpu.memory_space<hbm>>
        tpu.enqueue_dma source(%dma_start3A_119 : memref<64xi32, #tpu.memory_space<hbm>>) target(%arg12 : memref<64xi32, #tpu.memory_space<vmem>>) target_semaphore(%arg25 : memref<!tpu.dma_semaphore, #tpu.memory_space<semaphore_mem>>)
        %dma_start3A_120 = tpu.memref_slice %arg4[%add3A_111] : memref<320000xi32, #tpu.memory_space<hbm>> -> memref<16xi32, #tpu.memory_space<hbm>>
        %dma_start3A_121 = tpu.memref_slice %arg4[%add3A_111] : memref<320000xi32, #tpu.memory_space<hbm>> -> memref<16xi32, #tpu.memory_space<hbm>>
        tpu.enqueue_dma source(%dma_start3A_121 : memref<16xi32, #tpu.memory_space<hbm>>) target(%arg14 : memref<16xi32, #tpu.memory_space<vmem>>) target_semaphore(%arg27 : memref<!tpu.dma_semaphore, #tpu.memory_space<semaphore_mem>>)
      } else {
      }
      %get3A = arith.constant 0 : index
      %get3A_87 = tpu.vector_load %arg14[%get3A] {strides = array<i32>} : memref<16xi32, #tpu.memory_space<vmem>>, vector<16xi32>,
      %broadcast_in_dim3A_88 = arith.constant 0.000000e+00 : f32
      %broadcast_in_dim3A_89 = vector.broadcast %broadcast_in_dim3A_88 : f32 to vector<16xf32>
      %scan3A_90 = arith.constant 0 : i32
      %scan3A_91 = arith.constant 128 : i32
      %scan3A_92 = arith.addi %scan3A_90, %scan3A_91 : i32
      %scan3A_93 = arith.constant 1 : i32
      %scan3A_94 = scf.for %scan3A_107 = %scan3A_90 to %scan3A_92 step %scan3A_93 iter_args(%scan3A_108 = %broadcast_in_dim3A_89) -> (vector<16xf32>)  : i32 {
        %broadcast_in_dim3A_109 = vector.broadcast %scan3A_107 : i32 to vector<16xi32>
        %add3A_110 = arith.constant 128 : i32
        %add3A_111 = vector.broadcast %add3A_110 : i32 to vector<16xi32>
        %add3A_112 = arith.addi %broadcast_in_dim3A_109, %add3A_111 : vector<16xi32>
        %gather3A_113 = tpu.vector_load_idx %arg16[%add3A_8, %broadcast_in_dim3A_109] : memref<64x256xf32, #tpu.memory_space<vmem>>[vector<16xi32>, vector<16xi32>], vector<16xf32>,
        %gather3A_114 = tpu.vector_load_idx %arg16[%add3A_14, %broadcast_in_dim3A_109] : memref<64x256xf32, #tpu.memory_space<vmem>>[vector<16xi32>, vector<16xi32>], vector<16xf32>,
        %add3A_115 = arith.addf %gather3A_113, %gather3A_114 : vector<16xf32>
        %gather3A_116 = tpu.vector_load_idx %arg16[%add3A_20, %broadcast_in_dim3A_109] : memref<64x256xf32, #tpu.memory_space<vmem>>[vector<16xi32>, vector<16xi32>], vector<16xf32>,
        %add3A_117 = arith.addf %add3A_115, %gather3A_116 : vector<16xf32>
        %gather3A_118 = tpu.vector_load_idx %arg16[%add3A_26, %broadcast_in_dim3A_109] : memref<64x256xf32, #tpu.memory_space<vmem>>[vector<16xi32>, vector<16xi32>], vector<16xf32>,
        %add3A_119 = arith.addf %add3A_117, %gather3A_118 : vector<16xf32>
        %gather3A_120 = tpu.vector_load_idx %arg16[%add3A_8, %add3A_112] : memref<64x256xf32, #tpu.memory_space<vmem>>[vector<16xi32>, vector<16xi32>], vector<16xf32>,
        %gather3A_121 = tpu.vector_load_idx %arg16[%add3A_14, %add3A_112] : memref<64x256xf32, #tpu.memory_space<vmem>>[vector<16xi32>, vector<16xi32>], vector<16xf32>,
        %add3A_122 = arith.addf %gather3A_120, %gather3A_121 : vector<16xf32>
        %gather3A_123 = tpu.vector_load_idx %arg16[%add3A_20, %add3A_112] : memref<64x256xf32, #tpu.memory_space<vmem>>[vector<16xi32>, vector<16xi32>], vector<16xf32>,
        %add3A_124 = arith.addf %add3A_122, %gather3A_123 : vector<16xf32>
        %gather3A_125 = tpu.vector_load_idx %arg16[%add3A_26, %add3A_112] : memref<64x256xf32, #tpu.memory_space<vmem>>[vector<16xi32>, vector<16xi32>], vector<16xf32>,
        %add3A_126 = arith.addf %add3A_124, %gather3A_125 : vector<16xf32>
        %gather3A_127 = tpu.vector_load_idx %arg18[%add3A_8, %broadcast_in_dim3A_109] : memref<64x256xf32, #tpu.memory_space<vmem>>[vector<16xi32>, vector<16xi32>], vector<16xf32>,
        %gather3A_128 = tpu.vector_load_idx %arg18[%add3A_14, %broadcast_in_dim3A_109] : memref<64x256xf32, #tpu.memory_space<vmem>>[vector<16xi32>, vector<16xi32>], vector<16xf32>,
        %add3A_129 = arith.addf %gather3A_127, %gather3A_128 : vector<16xf32>
        %gather3A_130 = tpu.vector_load_idx %arg18[%add3A_20, %broadcast_in_dim3A_109] : memref<64x256xf32, #tpu.memory_space<vmem>>[vector<16xi32>, vector<16xi32>], vector<16xf32>,
        %add3A_131 = arith.addf %add3A_129, %gather3A_130 : vector<16xf32>
        %gather3A_132 = tpu.vector_load_idx %arg18[%add3A_26, %broadcast_in_dim3A_109] : memref<64x256xf32, #tpu.memory_space<vmem>>[vector<16xi32>, vector<16xi32>], vector<16xf32>,
        %add3A_133 = arith.addf %add3A_131, %gather3A_132 : vector<16xf32>
        %gather3A_134 = tpu.vector_load_idx %arg18[%add3A_8, %add3A_112] : memref<64x256xf32, #tpu.memory_space<vmem>>[vector<16xi32>, vector<16xi32>], vector<16xf32>,
        %gather3A_135 = tpu.vector_load_idx %arg18[%add3A_14, %add3A_112] : memref<64x256xf32, #tpu.memory_space<vmem>>[vector<16xi32>, vector<16xi32>], vector<16xf32>,
        %add3A_136 = arith.addf %gather3A_134, %gather3A_135 : vector<16xf32>
        %gather3A_137 = tpu.vector_load_idx %arg18[%add3A_20, %add3A_112] : memref<64x256xf32, #tpu.memory_space<vmem>>[vector<16xi32>, vector<16xi32>], vector<16xf32>,
        %add3A_138 = arith.addf %add3A_136, %gather3A_137 : vector<16xf32>
        %gather3A_139 = tpu.vector_load_idx %arg18[%add3A_26, %add3A_112] : memref<64x256xf32, #tpu.memory_space<vmem>>[vector<16xi32>, vector<16xi32>], vector<16xf32>,
        %add3A_140 = arith.addf %add3A_138, %gather3A_139 : vector<16xf32>
        %gather3A_141 = tpu.vector_load_idx %arg20[%get3A_87, %broadcast_in_dim3A_109] : memref<16x256xf32, #tpu.memory_space<vmem>>[vector<16xi32>, vector<16xi32>], vector<16xf32>,
        %gather3A_142 = tpu.vector_load_idx %arg20[%get3A_87, %add3A_112] : memref<16x256xf32, #tpu.memory_space<vmem>>[vector<16xi32>, vector<16xi32>], vector<16xf32>,
        %gather3A_143 = tpu.vector_load_idx %arg21[%broadcast_in_dim3A_109] : memref<256xf32, #tpu.memory_space<vmem>>[vector<16xi32>], vector<16xf32>,
        %mul3A_144 = arith.mulf %gather3A_141, %add3A_119 : vector<16xf32>
        %mul3A_145 = arith.mulf %mul3A_144, %add3A_133 : vector<16xf32>
        %add3A_146 = arith.addf %mul3A_145, %gather3A_142 : vector<16xf32>
        %add3A_147 = arith.addf %add3A_146, %add3A_126 : vector<16xf32>
        %add3A_148 = arith.addf %add3A_147, %add3A_140 : vector<16xf32>
        %max3A = arith.constant 0.000000e+00 : f32
        %max3A_149 = vector.broadcast %max3A : f32 to vector<16xf32>
        %max3A_150 = arith.maximumf %add3A_148, %max3A_149 : vector<16xf32>
        %mul3A_151 = arith.mulf %max3A_150, %gather3A_143 : vector<16xf32>
        %add3A_152 = arith.addf %scan3A_108, %mul3A_151 : vector<16xf32>
        scf.yield %add3A_152 : vector<16xf32>
      }
      %scan3A_95 = arith.constant 128 : i32
      %add3A_96 = arith.addf %scan3A_94, %gather3A : vector<16xf32>
      %mul3A_97 = arith.constant 16 : i32
      %mul3A_98 = arith.muli %mul3A_69, %mul3A_97 : i32
      %swap3A = arith.index_cast %mul3A_98 : i32 to index
      %swap3A_99 = tpu.vector_load %arg22[%swap3A] {strides = array<i32>} : memref<10000xf32, #tpu.memory_space<vmem>>, vector<16xf32>,
      tpu.vector_store %arg22[%swap3A], %add3A_96 {strides = array<i32>} : memref<10000xf32, #tpu.memory_space<vmem>>, vector<16xf32>,
      %add3A_100 = arith.constant 1 : i32
      %add3A_101 = arith.addi %mul3A_69, %add3A_100 : i32
      %lt3A_102 = arith.constant 625 : i32
      %lt3A_103 = arith.cmpi slt, %add3A_101, %lt3A_102 : i32
      %convert_element_type3A_104 = arith.extui %lt3A_103 : i1 to i32
      %cond3A_105 = arith.constant 0 : i32
      %cond3A_106 = arith.cmpi ne, %convert_element_type3A_104, %cond3A_105 : i32
      scf.if %cond3A_106 {
        %add3A_107 = arith.constant 1 : i32
        %add3A_108 = arith.addi %mul3A_69, %add3A_107 : i32
        %dma_wait3A_109 = arith.constant 0 : i32
        %dma_wait3A_110 = arith.constant 0 : i32
        %dma_wait3A_111 = tpu.memref_slice %arg5[%dma_wait3A_109, %dma_wait3A_110] : memref<10000x256xf32, #tpu.memory_space<hbm>> -> memref<10000x256xf32, #tpu.memory_space<hbm>>
        tpu.wait_indirect_dma semaphore(%arg30 : memref<!tpu.dma_semaphore, #tpu.memory_space<semaphore_mem>>) src(%dma_wait3A_111 : memref<10000x256xf32, #tpu.memory_space<hbm>>) dst(%arg17 : memref<64x256xf32, #tpu.memory_space<vmem>>)
        %dma_wait3A_112 = arith.constant 0 : i32
        %dma_wait3A_113 = arith.constant 0 : i32
        %dma_wait3A_114 = tpu.memref_slice %arg6[%dma_wait3A_112, %dma_wait3A_113] : memref<10000x256xf32, #tpu.memory_space<hbm>> -> memref<10000x256xf32, #tpu.memory_space<hbm>>
        tpu.wait_indirect_dma semaphore(%arg32 : memref<!tpu.dma_semaphore, #tpu.memory_space<semaphore_mem>>) src(%dma_wait3A_114 : memref<10000x256xf32, #tpu.memory_space<hbm>>) dst(%arg19 : memref<64x256xf32, #tpu.memory_space<vmem>>)
        %add3A_115 = arith.constant 1 : i32
        %add3A_116 = arith.addi %add3A_108, %add3A_115 : i32
        %lt3A_117 = arith.constant 625 : i32
        %lt3A_118 = arith.cmpi slt, %add3A_116, %lt3A_117 : i32
        %convert_element_type3A_119 = arith.extui %lt3A_118 : i1 to i32
        %cond3A_120 = arith.constant 0 : i32
        %cond3A_121 = arith.cmpi ne, %convert_element_type3A_119, %cond3A_120 : i32
        scf.if %cond3A_121 {
          %add3A_144 = arith.constant 1 : i32
          %add3A_145 = arith.addi %add3A_108, %add3A_144 : i32
          %mul3A_146 = arith.constant 16 : i32
          %mul3A_147 = arith.muli %add3A_145, %mul3A_146 : i32
          %add3A_148 = arith.addi %mul3A_2, %mul3A_147 : i32
          %mul3A_149 = arith.constant 4 : i32
          %mul3A_150 = arith.muli %add3A_148, %mul3A_149 : i32
          %mul3A_151 = arith.constant 4 : i32
          %mul3A_152 = arith.muli %add3A_148, %mul3A_151 : i32
          %dma_wait3A_153 = tpu.memref_slice %arg2[%mul3A_150] : memref<1280000xi32, #tpu.memory_space<hbm>> -> memref<64xi32, #tpu.memory_space<hbm>>
          %dma_wait3A_154 = tpu.memref_slice %arg2[%mul3A_150] : memref<1280000xi32, #tpu.memory_space<hbm>> -> memref<64xi32, #tpu.memory_space<hbm>>
          tpu.wait_dma2 semaphore(%arg23 : memref<!tpu.dma_semaphore, #tpu.memory_space<semaphore_mem>>) src(%dma_wait3A_154 : memref<64xi32, #tpu.memory_space<hbm>>) dst(%arg10 : memref<64xi32, #tpu.memory_space<vmem>>)
          %dma_wait3A_155 = tpu.memref_slice %arg3[%mul3A_152] : memref<1280000xi32, #tpu.memory_space<hbm>> -> memref<64xi32, #tpu.memory_space<hbm>>
          %dma_wait3A_156 = tpu.memref_slice %arg3[%mul3A_152] : memref<1280000xi32, #tpu.memory_space<hbm>> -> memref<64xi32, #tpu.memory_space<hbm>>
          tpu.wait_dma2 semaphore(%arg25 : memref<!tpu.dma_semaphore, #tpu.memory_space<semaphore_mem>>) src(%dma_wait3A_156 : memref<64xi32, #tpu.memory_space<hbm>>) dst(%arg12 : memref<64xi32, #tpu.memory_space<vmem>>)
          %dma_wait3A_157 = tpu.memref_slice %arg4[%add3A_148] : memref<320000xi32, #tpu.memory_space<hbm>> -> memref<16xi32, #tpu.memory_space<hbm>>
          %dma_wait3A_158 = tpu.memref_slice %arg4[%add3A_148] : memref<320000xi32, #tpu.memory_space<hbm>> -> memref<16xi32, #tpu.memory_space<hbm>>
          tpu.wait_dma2 semaphore(%arg27 : memref<!tpu.dma_semaphore, #tpu.memory_space<semaphore_mem>>) src(%dma_wait3A_158 : memref<16xi32, #tpu.memory_space<hbm>>) dst(%arg14 : memref<16xi32, #tpu.memory_space<vmem>>)
          %dma_start3A_159 = arith.constant 0 : i32
          %dma_start3A_160 = arith.constant 0 : i32
          %dma_start3A_161 = tpu.memref_slice %arg5[%dma_start3A_159, %dma_start3A_160] : memref<10000x256xf32, #tpu.memory_space<hbm>> -> memref<10000x256xf32, #tpu.memory_space<hbm>>
          tpu.enqueue_indirect_dma source(%dma_start3A_161 : memref<10000x256xf32, #tpu.memory_space<hbm>>) target(%arg16 : memref<64x256xf32, #tpu.memory_space<vmem>>) offsets(%arg10 : memref<64xi32, #tpu.memory_space<vmem>>) semaphore(%arg29 : memref<!tpu.dma_semaphore, #tpu.memory_space<semaphore_mem>>)
          %dma_start3A_162 = arith.constant 0 : i32
          %dma_start3A_163 = arith.constant 0 : i32
          %dma_start3A_164 = tpu.memref_slice %arg6[%dma_start3A_162, %dma_start3A_163] : memref<10000x256xf32, #tpu.memory_space<hbm>> -> memref<10000x256xf32, #tpu.memory_space<hbm>>
          tpu.enqueue_indirect_dma source(%dma_start3A_164 : memref<10000x256xf32, #tpu.memory_space<hbm>>) target(%arg18 : memref<64x256xf32, #tpu.memory_space<vmem>>) offsets(%arg12 : memref<64xi32, #tpu.memory_space<vmem>>) semaphore(%arg31 : memref<!tpu.dma_semaphore, #tpu.memory_space<semaphore_mem>>)
        } else {
        }
        %add3A_122 = arith.constant 2 : i32
        %add3A_123 = arith.addi %add3A_108, %add3A_122 : i32
        %lt3A_124 = arith.constant 625 : i32
        %lt3A_125 = arith.cmpi slt, %add3A_123, %lt3A_124 : i32
        %convert_element_type3A_126 = arith.extui %lt3A_125 : i1 to i32
        %cond3A_127 = arith.constant 0 : i32
        %cond3A_128 = arith.cmpi ne, %convert_element_type3A_126, %cond3A_127 : i32
        scf.if %cond3A_128 {
          %add3A_144 = arith.constant 2 : i32
          %add3A_145 = arith.addi %add3A_108, %add3A_144 : i32
          %mul3A_146 = arith.constant 16 : i32
          %mul3A_147 = arith.muli %add3A_145, %mul3A_146 : i32
          %add3A_148 = arith.addi %mul3A_2, %mul3A_147 : i32
          %mul3A_149 = arith.constant 4 : i32
          %mul3A_150 = arith.muli %add3A_148, %mul3A_149 : i32
          %mul3A_151 = arith.constant 4 : i32
          %mul3A_152 = arith.muli %add3A_148, %mul3A_151 : i32
          %dma_start3A_153 = tpu.memref_slice %arg2[%mul3A_150] : memref<1280000xi32, #tpu.memory_space<hbm>> -> memref<64xi32, #tpu.memory_space<hbm>>
          %dma_start3A_154 = tpu.memref_slice %arg2[%mul3A_150] : memref<1280000xi32, #tpu.memory_space<hbm>> -> memref<64xi32, #tpu.memory_space<hbm>>
          tpu.enqueue_dma source(%dma_start3A_154 : memref<64xi32, #tpu.memory_space<hbm>>) target(%arg11 : memref<64xi32, #tpu.memory_space<vmem>>) target_semaphore(%arg24 : memref<!tpu.dma_semaphore, #tpu.memory_space<semaphore_mem>>)
          %dma_start3A_155 = tpu.memref_slice %arg3[%mul3A_152] : memref<1280000xi32, #tpu.memory_space<hbm>> -> memref<64xi32, #tpu.memory_space<hbm>>
          %dma_start3A_156 = tpu.memref_slice %arg3[%mul3A_152] : memref<1280000xi32, #tpu.memory_space<hbm>> -> memref<64xi32, #tpu.memory_space<hbm>>
          tpu.enqueue_dma source(%dma_start3A_156 : memref<64xi32, #tpu.memory_space<hbm>>) target(%arg13 : memref<64xi32, #tpu.memory_space<vmem>>) target_semaphore(%arg26 : memref<!tpu.dma_semaphore, #tpu.memory_space<semaphore_mem>>)
          %dma_start3A_157 = tpu.memref_slice %arg4[%add3A_148] : memref<320000xi32, #tpu.memory_space<hbm>> -> memref<16xi32, #tpu.memory_space<hbm>>
          %dma_start3A_158 = tpu.memref_slice %arg4[%add3A_148] : memref<320000xi32, #tpu.memory_space<hbm>> -> memref<16xi32, #tpu.memory_space<hbm>>
          tpu.enqueue_dma source(%dma_start3A_158 : memref<16xi32, #tpu.memory_space<hbm>>) target(%arg15 : memref<16xi32, #tpu.memory_space<vmem>>) target_semaphore(%arg28 : memref<!tpu.dma_semaphore, #tpu.memory_space<semaphore_mem>>)
        } else {
        }
        %get3A_129 = arith.constant 0 : index
        %get3A_130 = tpu.vector_load %arg15[%get3A_129] {strides = array<i32>} : memref<16xi32, #tpu.memory_space<vmem>>, vector<16xi32>,
        %broadcast_in_dim3A_131 = arith.constant 0.000000e+00 : f32
        %broadcast_in_dim3A_132 = vector.broadcast %broadcast_in_dim3A_131 : f32 to vector<16xf32>
        %scan3A_133 = arith.constant 0 : i32
        %scan3A_134 = arith.constant 128 : i32
        %scan3A_135 = arith.addi %scan3A_133, %scan3A_134 : i32
        %scan3A_136 = arith.constant 1 : i32
        %scan3A_137 = scf.for %scan3A_144 = %scan3A_133 to %scan3A_135 step %scan3A_136 iter_args(%scan3A_145 = %broadcast_in_dim3A_132) -> (vector<16xf32>)  : i32 {
          %broadcast_in_dim3A_146 = vector.broadcast %scan3A_144 : i32 to vector<16xi32>
          %add3A_147 = arith.constant 128 : i32
          %add3A_148 = vector.broadcast %add3A_147 : i32 to vector<16xi32>
          %add3A_149 = arith.addi %broadcast_in_dim3A_146, %add3A_148 : vector<16xi32>
          %gather3A_150 = tpu.vector_load_idx %arg17[%add3A_8, %broadcast_in_dim3A_146] : memref<64x256xf32, #tpu.memory_space<vmem>>[vector<16xi32>, vector<16xi32>], vector<16xf32>,
          %gather3A_151 = tpu.vector_load_idx %arg17[%add3A_14, %broadcast_in_dim3A_146] : memref<64x256xf32, #tpu.memory_space<vmem>>[vector<16xi32>, vector<16xi32>], vector<16xf32>,
          %add3A_152 = arith.addf %gather3A_150, %gather3A_151 : vector<16xf32>
          %gather3A_153 = tpu.vector_load_idx %arg17[%add3A_20, %broadcast_in_dim3A_146] : memref<64x256xf32, #tpu.memory_space<vmem>>[vector<16xi32>, vector<16xi32>], vector<16xf32>,
          %add3A_154 = arith.addf %add3A_152, %gather3A_153 : vector<16xf32>
          %gather3A_155 = tpu.vector_load_idx %arg17[%add3A_26, %broadcast_in_dim3A_146] : memref<64x256xf32, #tpu.memory_space<vmem>>[vector<16xi32>, vector<16xi32>], vector<16xf32>,
          %add3A_156 = arith.addf %add3A_154, %gather3A_155 : vector<16xf32>
          %gather3A_157 = tpu.vector_load_idx %arg17[%add3A_8, %add3A_149] : memref<64x256xf32, #tpu.memory_space<vmem>>[vector<16xi32>, vector<16xi32>], vector<16xf32>,
          %gather3A_158 = tpu.vector_load_idx %arg17[%add3A_14, %add3A_149] : memref<64x256xf32, #tpu.memory_space<vmem>>[vector<16xi32>, vector<16xi32>], vector<16xf32>,
          %add3A_159 = arith.addf %gather3A_157, %gather3A_158 : vector<16xf32>
          %gather3A_160 = tpu.vector_load_idx %arg17[%add3A_20, %add3A_149] : memref<64x256xf32, #tpu.memory_space<vmem>>[vector<16xi32>, vector<16xi32>], vector<16xf32>,
          %add3A_161 = arith.addf %add3A_159, %gather3A_160 : vector<16xf32>
          %gather3A_162 = tpu.vector_load_idx %arg17[%add3A_26, %add3A_149] : memref<64x256xf32, #tpu.memory_space<vmem>>[vector<16xi32>, vector<16xi32>], vector<16xf32>,
          %add3A_163 = arith.addf %add3A_161, %gather3A_162 : vector<16xf32>
          %gather3A_164 = tpu.vector_load_idx %arg19[%add3A_8, %broadcast_in_dim3A_146] : memref<64x256xf32, #tpu.memory_space<vmem>>[vector<16xi32>, vector<16xi32>], vector<16xf32>,
          %gather3A_165 = tpu.vector_load_idx %arg19[%add3A_14, %broadcast_in_dim3A_146] : memref<64x256xf32, #tpu.memory_space<vmem>>[vector<16xi32>, vector<16xi32>], vector<16xf32>,
          %add3A_166 = arith.addf %gather3A_164, %gather3A_165 : vector<16xf32>
          %gather3A_167 = tpu.vector_load_idx %arg19[%add3A_20, %broadcast_in_dim3A_146] : memref<64x256xf32, #tpu.memory_space<vmem>>[vector<16xi32>, vector<16xi32>], vector<16xf32>,
          %add3A_168 = arith.addf %add3A_166, %gather3A_167 : vector<16xf32>
          %gather3A_169 = tpu.vector_load_idx %arg19[%add3A_26, %broadcast_in_dim3A_146] : memref<64x256xf32, #tpu.memory_space<vmem>>[vector<16xi32>, vector<16xi32>], vector<16xf32>,
          %add3A_170 = arith.addf %add3A_168, %gather3A_169 : vector<16xf32>
          %gather3A_171 = tpu.vector_load_idx %arg19[%add3A_8, %add3A_149] : memref<64x256xf32, #tpu.memory_space<vmem>>[vector<16xi32>, vector<16xi32>], vector<16xf32>,
          %gather3A_172 = tpu.vector_load_idx %arg19[%add3A_14, %add3A_149] : memref<64x256xf32, #tpu.memory_space<vmem>>[vector<16xi32>, vector<16xi32>], vector<16xf32>,
          %add3A_173 = arith.addf %gather3A_171, %gather3A_172 : vector<16xf32>
          %gather3A_174 = tpu.vector_load_idx %arg19[%add3A_20, %add3A_149] : memref<64x256xf32, #tpu.memory_space<vmem>>[vector<16xi32>, vector<16xi32>], vector<16xf32>,
          %add3A_175 = arith.addf %add3A_173, %gather3A_174 : vector<16xf32>
          %gather3A_176 = tpu.vector_load_idx %arg19[%add3A_26, %add3A_149] : memref<64x256xf32, #tpu.memory_space<vmem>>[vector<16xi32>, vector<16xi32>], vector<16xf32>,
          %add3A_177 = arith.addf %add3A_175, %gather3A_176 : vector<16xf32>
          %gather3A_178 = tpu.vector_load_idx %arg20[%get3A_130, %broadcast_in_dim3A_146] : memref<16x256xf32, #tpu.memory_space<vmem>>[vector<16xi32>, vector<16xi32>], vector<16xf32>,
          %gather3A_179 = tpu.vector_load_idx %arg20[%get3A_130, %add3A_149] : memref<16x256xf32, #tpu.memory_space<vmem>>[vector<16xi32>, vector<16xi32>], vector<16xf32>,
          %gather3A_180 = tpu.vector_load_idx %arg21[%broadcast_in_dim3A_146] : memref<256xf32, #tpu.memory_space<vmem>>[vector<16xi32>], vector<16xf32>,
          %mul3A_181 = arith.mulf %gather3A_178, %add3A_156 : vector<16xf32>
          %mul3A_182 = arith.mulf %mul3A_181, %add3A_170 : vector<16xf32>
          %add3A_183 = arith.addf %mul3A_182, %gather3A_179 : vector<16xf32>
          %add3A_184 = arith.addf %add3A_183, %add3A_163 : vector<16xf32>
          %add3A_185 = arith.addf %add3A_184, %add3A_177 : vector<16xf32>
          %max3A = arith.constant 0.000000e+00 : f32
          %max3A_186 = vector.broadcast %max3A : f32 to vector<16xf32>
          %max3A_187 = arith.maximumf %add3A_185, %max3A_186 : vector<16xf32>
          %mul3A_188 = arith.mulf %max3A_187, %gather3A_180 : vector<16xf32>
          %add3A_189 = arith.addf %scan3A_145, %mul3A_188 : vector<16xf32>
          scf.yield %add3A_189 : vector<16xf32>
        }
        %scan3A_138 = arith.constant 128 : i32
        %add3A_139 = arith.addf %scan3A_137, %gather3A : vector<16xf32>
        %mul3A_140 = arith.constant 16 : i32
        %mul3A_141 = arith.muli %add3A_108, %mul3A_140 : i32
        %swap3A_142 = arith.index_cast %mul3A_141 : i32 to index
        %swap3A_143 = tpu.vector_load %arg22[%swap3A_142] {strides = array<i32>} : memref<10000xf32, #tpu.memory_space<vmem>>, vector<16xf32>,
        tpu.vector_store %arg22[%swap3A_142], %add3A_139 {strides = array<i32>} : memref<10000xf32, #tpu.memory_space<vmem>>, vector<16xf32>,
      } else {
      }
    }
    %scan3A_66 = arith.constant 313 : i32
    "tpu.region"() ({
      %run_scoped3A = tpu.sem_alloc : memref<!tpu.dma_semaphore, #tpu.memory_space<semaphore_mem>>
      %dma_start3A_67 = tpu.memref_slice %arg9[%mul3A_2] : memref<320000xf32, #tpu.memory_space<hbm>> -> memref<10000xf32, #tpu.memory_space<hbm>>
      %dma_start3A_68 = tpu.memref_slice %arg9[%mul3A_2] : memref<320000xf32, #tpu.memory_space<hbm>> -> memref<10000xf32, #tpu.memory_space<hbm>>
      tpu.enqueue_dma source(%arg22 : memref<10000xf32, #tpu.memory_space<vmem>>) target(%dma_start3A_68 : memref<10000xf32, #tpu.memory_space<hbm>>) target_semaphore(%run_scoped3A : memref<!tpu.dma_semaphore, #tpu.memory_space<semaphore_mem>>)
      %dma_wait3A_69 = tpu.memref_slice %arg9[%mul3A_2] : memref<320000xf32, #tpu.memory_space<hbm>> -> memref<10000xf32, #tpu.memory_space<hbm>>
      %dma_wait3A_70 = tpu.memref_slice %arg9[%mul3A_2] : memref<320000xf32, #tpu.memory_space<hbm>> -> memref<10000xf32, #tpu.memory_space<hbm>>
      tpu.wait_dma2 semaphore(%run_scoped3A : memref<!tpu.dma_semaphore, #tpu.memory_space<semaphore_mem>>) src(%arg22 : memref<10000xf32, #tpu.memory_space<vmem>>) dst(%dma_wait3A_70 : memref<10000xf32, #tpu.memory_space<hbm>>)
      tpu.yield
    }) : () -> ()
    return
  }
}

module attributes {stable_mosaic.version = 14 : i64} {
  func.func @_ab_body(%arg0: memref<1000x128xf32, #tpu.memory_space<vmem>>, %arg1: memref<8x1xi32, #tpu.memory_space<vmem>>, %arg2: memref<16x128xf32, #tpu.memory_space<vmem>>, %arg3: memref<128x128xf32, #tpu.memory_space<vmem>>, %arg4: memref<128x128xf32, #tpu.memory_space<vmem>>, %arg5: memref<128x128xf32, #tpu.memory_space<vmem>>, %arg6: memref<128x128xf32, #tpu.memory_space<vmem>>, %arg7: memref<1x128xf32, #tpu.memory_space<vmem>>, %arg8: memref<1x128xf32, #tpu.memory_space<vmem>>, %arg9: memref<1x128xf32, #tpu.memory_space<vmem>>, %arg10: memref<1x128xf32, #tpu.memory_space<vmem>>, %arg11: memref<16x256xf32, #tpu.memory_space<vmem>>) attributes {dimension_semantics = [], scalar_prefetch = 0 : i64, scratch_operands = 0 : i64, tpu.core_type = #tpu.core_type<tc>} {
    %iota3A = tpu.iota {dimensions = array<i32: 1>} : vector<8x1000xi32>
    %get3A = arith.constant 0 : index
    %get3A_0 = arith.constant 0 : index
    %get3A_1 = vector.load %arg1[%get3A, %get3A_0] : memref<8x1xi32, #tpu.memory_space<vmem>>, vector<8x1xi32>
    %eq3A = vector.broadcast %get3A_1 : vector<8x1xi32> to vector<8x1000xi32>
    %eq3A_2 = arith.cmpi eq, %iota3A, %eq3A : vector<8x1000xi32>
    %convert_element_type3A = arith.extui %eq3A_2 : vector<8x1000xi1> to vector<8x1000xi32>
    %convert_element_type3A_3 = arith.sitofp %convert_element_type3A : vector<8x1000xi32> to vector<8x1000xf32>
    %reduce_sum3A = arith.constant dense<0.000000e+00> : vector<1000xf32>
    %reduce_sum3A_4 = vector.multi_reduction <add>, %convert_element_type3A_3, %reduce_sum3A [0] : vector<8x1000xf32> to vector<1000xf32>
    %broadcast_in_dim3A = vector.shape_cast %reduce_sum3A_4 : vector<1000xf32> to vector<1x1000xf32>
    %mul3A = arith.constant 1.250000e-01 : f32
    %mul3A_5 = vector.broadcast %mul3A : f32 to vector<1x1000xf32>
    %mul3A_6 = arith.mulf %broadcast_in_dim3A, %mul3A_5 : vector<1x1000xf32>
    %get3A_7 = arith.constant 0 : index
    %get3A_8 = arith.constant 0 : index
    %get3A_9 = vector.load %arg0[%get3A_7, %get3A_8] : memref<1000x128xf32, #tpu.memory_space<vmem>>, vector<1000x128xf32>
    %dot_general3A = arith.constant dense<0.000000e+00> : vector<1x128xf32>
    %dot_general3A_10 = tpu.matmul %mul3A_6, %get3A_9, %dot_general3A {dimension_numbers = #tpu.dot_dimension_numbers<[1], [0], [0], [1], [0, 0, 1, 1], [], []>, transpose_lhs_hint = false} : vector<1x1000xf32>, vector<1000x128xf32>, vector<1x128xf32> -> vector<1x128xf32>
    %get3A_11 = arith.constant 0 : index
    %get3A_12 = arith.constant 0 : index
    %get3A_13 = vector.load %arg3[%get3A_11, %get3A_12] : memref<128x128xf32, #tpu.memory_space<vmem>>, vector<128x128xf32>
    %dot_general3A_14 = arith.constant dense<0.000000e+00> : vector<1x128xf32>
    %dot_general3A_15 = tpu.matmul %dot_general3A_10, %get3A_13, %dot_general3A_14 {dimension_numbers = #tpu.dot_dimension_numbers<[1], [0], [0], [1], [0, 0, 1, 1], [], []>, transpose_lhs_hint = false} : vector<1x128xf32>, vector<128x128xf32>, vector<1x128xf32> -> vector<1x128xf32>
    %get3A_16 = arith.constant 0 : index
    %get3A_17 = arith.constant 0 : index
    %get3A_18 = vector.load %arg7[%get3A_16, %get3A_17] : memref<1x128xf32, #tpu.memory_space<vmem>>, vector<1x128xf32>
    %add3A = arith.addf %dot_general3A_15, %get3A_18 : vector<1x128xf32>
    %get3A_19 = arith.constant 0 : index
    %get3A_20 = arith.constant 0 : index
    %get3A_21 = vector.load %arg4[%get3A_19, %get3A_20] : memref<128x128xf32, #tpu.memory_space<vmem>>, vector<128x128xf32>
    %dot_general3A_22 = arith.constant dense<0.000000e+00> : vector<1x128xf32>
    %dot_general3A_23 = tpu.matmul %dot_general3A_10, %get3A_21, %dot_general3A_22 {dimension_numbers = #tpu.dot_dimension_numbers<[1], [0], [0], [1], [0, 0, 1, 1], [], []>, transpose_lhs_hint = false} : vector<1x128xf32>, vector<128x128xf32>, vector<1x128xf32> -> vector<1x128xf32>
    %get3A_24 = arith.constant 0 : index
    %get3A_25 = arith.constant 0 : index
    %get3A_26 = vector.load %arg8[%get3A_24, %get3A_25] : memref<1x128xf32, #tpu.memory_space<vmem>>, vector<1x128xf32>
    %add3A_27 = arith.addf %dot_general3A_23, %get3A_26 : vector<1x128xf32>
    %get3A_28 = arith.constant 0 : index
    %get3A_29 = arith.constant 0 : index
    %get3A_30 = vector.load %arg2[%get3A_28, %get3A_29] : memref<16x128xf32, #tpu.memory_space<vmem>>, vector<16x128xf32>
    %get3A_31 = arith.constant 0 : index
    %get3A_32 = arith.constant 0 : index
    %get3A_33 = vector.load %arg5[%get3A_31, %get3A_32] : memref<128x128xf32, #tpu.memory_space<vmem>>, vector<128x128xf32>
    %dot_general3A_34 = arith.constant dense<0.000000e+00> : vector<16x128xf32>
    %dot_general3A_35 = tpu.matmul %get3A_30, %get3A_33, %dot_general3A_34 {dimension_numbers = #tpu.dot_dimension_numbers<[1], [0], [0], [1], [0, 0, 1, 1], [], []>, transpose_lhs_hint = false} : vector<16x128xf32>, vector<128x128xf32>, vector<16x128xf32> -> vector<16x128xf32>
    %get3A_36 = arith.constant 0 : index
    %get3A_37 = arith.constant 0 : index
    %get3A_38 = vector.load %arg9[%get3A_36, %get3A_37] : memref<1x128xf32, #tpu.memory_space<vmem>>, vector<1x128xf32>
    %add3A_39 = vector.broadcast %get3A_38 : vector<1x128xf32> to vector<16x128xf32>
    %add3A_40 = arith.addf %dot_general3A_35, %add3A_39 : vector<16x128xf32>
    %get3A_41 = arith.constant 0 : index
    %get3A_42 = arith.constant 0 : index
    %get3A_43 = vector.load %arg2[%get3A_41, %get3A_42] : memref<16x128xf32, #tpu.memory_space<vmem>>, vector<16x128xf32>
    %get3A_44 = arith.constant 0 : index
    %get3A_45 = arith.constant 0 : index
    %get3A_46 = vector.load %arg6[%get3A_44, %get3A_45] : memref<128x128xf32, #tpu.memory_space<vmem>>, vector<128x128xf32>
    %dot_general3A_47 = arith.constant dense<0.000000e+00> : vector<16x128xf32>
    %dot_general3A_48 = tpu.matmul %get3A_43, %get3A_46, %dot_general3A_47 {dimension_numbers = #tpu.dot_dimension_numbers<[1], [0], [0], [1], [0, 0, 1, 1], [], []>, transpose_lhs_hint = false} : vector<16x128xf32>, vector<128x128xf32>, vector<16x128xf32> -> vector<16x128xf32>
    %get3A_49 = arith.constant 0 : index
    %get3A_50 = arith.constant 0 : index
    %get3A_51 = vector.load %arg10[%get3A_49, %get3A_50] : memref<1x128xf32, #tpu.memory_space<vmem>>, vector<1x128xf32>
    %add3A_52 = vector.broadcast %get3A_51 : vector<1x128xf32> to vector<16x128xf32>
    %add3A_53 = arith.addf %dot_general3A_48, %add3A_52 : vector<16x128xf32>
    %mul3A_54 = vector.broadcast %add3A : vector<1x128xf32> to vector<16x128xf32>
    %mul3A_55 = arith.mulf %mul3A_54, %add3A_40 : vector<16x128xf32>
    %swap3A = arith.constant 0 : index
    %swap3A_56 = arith.constant 0 : index
    %swap3A_57 = vector.load %arg11[%swap3A, %swap3A_56] : memref<16x256xf32, #tpu.memory_space<vmem>>, vector<16x128xf32>
    tpu.vector_store %arg11[%swap3A, %swap3A_56], %mul3A_55 {strides = array<i32>} : memref<16x256xf32, #tpu.memory_space<vmem>>, vector<16x128xf32>,
    %add3A_58 = vector.broadcast %add3A_27 : vector<1x128xf32> to vector<16x128xf32>
    %add3A_59 = arith.addf %add3A_58, %add3A_53 : vector<16x128xf32>
    %swap3A_60 = arith.constant 0 : index
    %swap3A_61 = arith.constant 128 : index
    %swap3A_62 = vector.load %arg11[%swap3A_60, %swap3A_61] : memref<16x256xf32, #tpu.memory_space<vmem>>, vector<16x128xf32>
    tpu.vector_store %arg11[%swap3A_60, %swap3A_61], %add3A_59 {strides = array<i32>} : memref<16x256xf32, #tpu.memory_space<vmem>>, vector<16x128xf32>,
    return
  }
}

module attributes {stable_mosaic.version = 14 : i64} {
  func.func @_project_body(%arg0: i32, %arg1: memref<2000x128xf32, #tpu.memory_space<vmem>>, %arg2: memref<2000x128xf32, #tpu.memory_space<vmem>>, %arg3: memref<128x256xf32, #tpu.memory_space<vmem>>, %arg4: memref<128x256xf32, #tpu.memory_space<vmem>>, %arg5: memref<1x256xf32, #tpu.memory_space<vmem>>, %arg6: memref<1x256xf32, #tpu.memory_space<vmem>>, %arg7: memref<2000x256xf32, #tpu.memory_space<vmem>>, %arg8: memref<2000x256xf32, #tpu.memory_space<vmem>>) attributes {dimension_semantics = [#tpu.dimension_semantics<arbitrary>], iteration_bounds = array<i64: 5>, scalar_prefetch = 0 : i64, scratch_operands = 0 : i64, tpu.core_type = #tpu.core_type<tc>, window_params = [{transform_indices = @transform_0, window_bounds = array<i64: 2000, 128>}, {transform_indices = @transform_1, window_bounds = array<i64: 2000, 128>}, {pipeline_mode = #tpu.pipeline_mode<synchronous>, transform_indices = @transform_2, window_bounds = array<i64: 128, 256>}, {pipeline_mode = #tpu.pipeline_mode<synchronous>, transform_indices = @transform_3, window_bounds = array<i64: 128, 256>}, {pipeline_mode = #tpu.pipeline_mode<synchronous>, transform_indices = @transform_4, window_bounds = array<i64: 1, 256>}, {pipeline_mode = #tpu.pipeline_mode<synchronous>, transform_indices = @transform_5, window_bounds = array<i64: 1, 256>}, {transform_indices = @transform_6, window_bounds = array<i64: 2000, 256>}, {transform_indices = @transform_7, window_bounds = array<i64: 2000, 256>}]} {
    %get3A = arith.constant 0 : index
    %get3A_0 = arith.constant 0 : index
    %get3A_1 = vector.load %arg1[%get3A, %get3A_0] : memref<2000x128xf32, #tpu.memory_space<vmem>>, vector<2000x128xf32>
    %get3A_2 = arith.constant 0 : index
    %get3A_3 = arith.constant 0 : index
    %get3A_4 = vector.load %arg3[%get3A_2, %get3A_3] : memref<128x256xf32, #tpu.memory_space<vmem>>, vector<128x256xf32>
    %dot_general3A = arith.constant dense<0.000000e+00> : vector<2000x256xf32>
    %dot_general3A_5 = tpu.matmul %get3A_1, %get3A_4, %dot_general3A {dimension_numbers = #tpu.dot_dimension_numbers<[1], [0], [0], [1], [0, 0, 1, 1], [], []>, transpose_lhs_hint = false} : vector<2000x128xf32>, vector<128x256xf32>, vector<2000x256xf32> -> vector<2000x256xf32>
    %get3A_6 = arith.constant 0 : index
    %get3A_7 = arith.constant 0 : index
    %get3A_8 = vector.load %arg5[%get3A_6, %get3A_7] : memref<1x256xf32, #tpu.memory_space<vmem>>, vector<1x256xf32>
    %add3A = vector.broadcast %get3A_8 : vector<1x256xf32> to vector<2000x256xf32>
    %add3A_9 = arith.addf %dot_general3A_5, %add3A : vector<2000x256xf32>
    %mul3A = arith.constant 2.500000e-01 : f32
    %mul3A_10 = vector.broadcast %mul3A : f32 to vector<2000x256xf32>
    %mul3A_11 = arith.mulf %add3A_9, %mul3A_10 : vector<2000x256xf32>
    %swap3A = arith.constant 0 : index
    %swap3A_12 = arith.constant 0 : index
    %swap3A_13 = vector.load %arg7[%swap3A, %swap3A_12] : memref<2000x256xf32, #tpu.memory_space<vmem>>, vector<2000x256xf32>
    tpu.vector_store %arg7[%swap3A, %swap3A_12], %mul3A_11 {strides = array<i32>} : memref<2000x256xf32, #tpu.memory_space<vmem>>, vector<2000x256xf32>,
    %get3A_14 = arith.constant 0 : index
    %get3A_15 = arith.constant 0 : index
    %get3A_16 = vector.load %arg2[%get3A_14, %get3A_15] : memref<2000x128xf32, #tpu.memory_space<vmem>>, vector<2000x128xf32>
    %get3A_17 = arith.constant 0 : index
    %get3A_18 = arith.constant 0 : index
    %get3A_19 = vector.load %arg4[%get3A_17, %get3A_18] : memref<128x256xf32, #tpu.memory_space<vmem>>, vector<128x256xf32>
    %dot_general3A_20 = arith.constant dense<0.000000e+00> : vector<2000x256xf32>
    %dot_general3A_21 = tpu.matmul %get3A_16, %get3A_19, %dot_general3A_20 {dimension_numbers = #tpu.dot_dimension_numbers<[1], [0], [0], [1], [0, 0, 1, 1], [], []>, transpose_lhs_hint = false} : vector<2000x128xf32>, vector<128x256xf32>, vector<2000x256xf32> -> vector<2000x256xf32>
    %get3A_22 = arith.constant 0 : index
    %get3A_23 = arith.constant 0 : index
    %get3A_24 = vector.load %arg6[%get3A_22, %get3A_23] : memref<1x256xf32, #tpu.memory_space<vmem>>, vector<1x256xf32>
    %add3A_25 = vector.broadcast %get3A_24 : vector<1x256xf32> to vector<2000x256xf32>
    %add3A_26 = arith.addf %dot_general3A_21, %add3A_25 : vector<2000x256xf32>
    %mul3A_27 = arith.constant 2.500000e-01 : f32
    %mul3A_28 = vector.broadcast %mul3A_27 : f32 to vector<2000x256xf32>
    %mul3A_29 = arith.mulf %add3A_26, %mul3A_28 : vector<2000x256xf32>
    %swap3A_30 = arith.constant 0 : index
    %swap3A_31 = arith.constant 0 : index
    %swap3A_32 = vector.load %arg8[%swap3A_30, %swap3A_31] : memref<2000x256xf32, #tpu.memory_space<vmem>>, vector<2000x256xf32>
    tpu.vector_store %arg8[%swap3A_30, %swap3A_31], %mul3A_29 {strides = array<i32>} : memref<2000x256xf32, #tpu.memory_space<vmem>>, vector<2000x256xf32>,
    return
  }
  func.func @transform_0(%arg0: i32) -> (i32, i32) {
    %c0_i32 = arith.constant 0 : i32
    %c0_i32_0 = arith.constant 0 : i32
    return %arg0, %c0_i32 : i32, i32
  }
  func.func @transform_1(%arg0: i32) -> (i32, i32) {
    %c0_i32 = arith.constant 0 : i32
    %c0_i32_0 = arith.constant 0 : i32
    return %arg0, %c0_i32 : i32, i32
  }
  func.func @transform_2(%arg0: i32) -> (i32, i32) {
    %c0_i32 = arith.constant 0 : i32
    %c0_i32_0 = arith.constant 0 : i32
    %c0_i32_1 = arith.constant 0 : i32
    return %c0_i32, %c0_i32_0 : i32, i32
  }
  func.func @transform_3(%arg0: i32) -> (i32, i32) {
    %c0_i32 = arith.constant 0 : i32
    %c0_i32_0 = arith.constant 0 : i32
    %c0_i32_1 = arith.constant 0 : i32
    return %c0_i32, %c0_i32_0 : i32, i32
  }
  func.func @transform_4(%arg0: i32) -> (i32, i32) {
    %c0_i32 = arith.constant 0 : i32
    %c0_i32_0 = arith.constant 0 : i32
    %c0_i32_1 = arith.constant 0 : i32
    return %c0_i32, %c0_i32_0 : i32, i32
  }
  func.func @transform_5(%arg0: i32) -> (i32, i32) {
    %c0_i32 = arith.constant 0 : i32
    %c0_i32_0 = arith.constant 0 : i32
    %c0_i32_1 = arith.constant 0 : i32
    return %c0_i32, %c0_i32_0 : i32, i32
  }
  func.func @transform_6(%arg0: i32) -> (i32, i32) {
    %c0_i32 = arith.constant 0 : i32
    %c0_i32_0 = arith.constant 0 : i32
    return %arg0, %c0_i32 : i32, i32
  }
  func.func @transform_7(%arg0: i32) -> (i32, i32) {
    %c0_i32 = arith.constant 0 : i32
    %c0_i32_0 = arith.constant 0 : i32
    return %arg0, %c0_i32 : i32, i32
  }
}

</mosaic_0001>

<sc_bundles>
// kernel: kernel.5.cloned.1.call-start
scs
__scs_entry_jumppad:
0x0: {  	(pc) =	sbr.rel $0x88, $3  }
0x1: {  	(tag) =	ssettag $0x0;
	lr =	simm.s32 $0x1  }
0x2: {  	[smem:$0x3F87] =	sst lr;
	_ =	strace $0xD0000000  }
0x3: {  	_ = 	snop  }
0x4: {  	_ = 	snop  }
0x5: {  	_ = 	snop  }
0x6: {  	_ = 	snop  }
0x7: {  	_ = 	snop  }
__scs_overlays_trampoline_lowered:
0x8: {  	[smem:$0x3F96] =	sst s0  }
0x9: {  	[smem:$0x3F97] =	sst s1  }
0xa: {  	[smem:$0x3F98] =	sst s2  }
0xb: {  	[smem:$0x3F99] =	sst s3  }
0xc: {  	[smem:$0x3F9A] =	sst s4  }
0xd: {  	[smem:$0x3F9B] =	sst s5  }
0xe: {  	[smem:$0x3F9C] =	sst s6  }
0xf: {  	[smem:$0x3F9D] =	sst s7  }
0x10: {  	[smem:$0x3F9E] =	sst s8  }
0x11: {  	[smem:$0x3F9F] =	sst s9;
	s0 =	simm.s32 @!p0 $0x0  }
0x12: {  	s1 =	sld [smem:$0x3F85];
	s0 =	simm.s32 @p0 $0x1  }
0x13: {  	[smem:$0x3FA0] =	sst s0;
	s0 =	simm.s32 @!p1 $0x0  }
0x14: {  	s2 =	sld [smem:$0x3F84];
	s0 =	simm.s32 @p1 $0x1  }
0x15: {  	[smem:$0x3FA1] =	sst s0;
	s0 =	simm.s32 @!p2 $0x0  }
0x16: {  	s3 =	sld [smem:$0x3FDB];
	s0 =	simm.s32 @p2 $0x1  }
0x17: {  	s4 =	simm.s32 $0x1BF5;
	[smem:$0x3FA3] =	sst s0  }
0x18: {  	s0 =	sld [smem:$0x3F86];
	_ =	swait.ge [sflag:s4], $0x0  }
0x19: {  	s7 =	sld [smem:$0x3F87]  }
0x1a: {  	s8 =	sadd.s32 $0xFFFFE003, lr  }
0x1b: {  	s9 =	sadd.s32 $0xFFFFFEF7, lr;
	s5 =	simm.s32 $0xFFFFFFFF;
	p2 =	slt.u32 s8, $0xFFFFF086  }
0x1c: {  	p1 =	slt.u32 s9, $0xF7A;
	s5 =	simm.s32 @!p2 $0x0  }
0x1d: {  	s5 =	simm.s32 @p1 $0x1;
	p0 =	seq.s32 s7, s2  }
0x1e: {  	s7 =	smul.u32 @!p0 $0xF7A, s2;
	p2 =	seq.s32 @!p0 s5, $0x0  }
0x1f: {  	s9 =	smul.u32 $0xF7A, s1;
	s8 =	simm.s32 @!p0 $0x1BF5;
	p2 =	por !p2, p0  }
0x20: {  	[sflag:s8] =	ssyncset.s32 @!p0 $0xFFFFF086;
	s6 =	sadd.s32 @!p0 s3, s7;
	s7 =	simm.s32 @!p0 $0x108  }
0x21: {  	s3 =	sadd.s32 s3, s9;
	s6 =	sadd.s32 @!p0 $0x88, s6;
	s7 =	simm.s32 @p2 $0x1082  }
0x22: {  	[simem:s7], [sflag:s8] =	dma.local @!p0 [hbm:s6], $0xF7A  }
0x23: {  	s9 =	sor.u32 $0xD0000000, s2;
	s6 =	simm.s32 $0x108;
	_ =	swait.ge @!p0 [sflag:s8], $0x0  }
0x24: {  	s3 =	sadd.s32 $0x88, s3;
	s6 =	simm.s32 @!p1 $0x1082;
	[sflag:s4] =	ssyncset.s32 $0xFFFFF086  }
0x25: {  	[simem:s6], [sflag:s4] =	dma.local [hbm:s3], $0xF7A  }
0x26: {  	[smem:$0x3F87] =	sst s1;
	(tag) =	ssettag s2;
	_ =	strace s9  }
0x27: {  	s1 =	sld [smem:$0x3F97]  }
0x28: {  	s2 =	sld [smem:$0x3F98]  }
0x29: {  	s4 =	sld [smem:$0x3F9A]  }
0x2a: {  	p0 =	seq.s32 s5, $0x0;
	s5 =	sld [smem:$0x3F9B]  }
0x2b: {  	s6 =	sld [smem:$0x3F9C]  }
0x2c: {  	s7 =	sld [smem:$0x3F9D]  }
0x2d: {  	s3 =	simm.s32 $0x108;
	s8 =	sld [smem:$0x3F9E]  }
0x2e: {  	s3 =	simm.s32 @!p0 $0x1082;
	s9 =	sld [smem:$0x3F9F]  }
0x2f: {  	lr =	sadd.s32 s0, s3;
	s0 =	sld [smem:$0x3F96]  }
0x30: {  	s3 =	sld [smem:$0x3F99]  }
0x31: {  	[smem:$0x3FA2] =	sst s10  }
0x32: {  	s10 =	sld [smem:$0x3FA0];
	_ =	sdelay $0x3  }
0x33: {  	p0 =	seq.s32 s10, $0x1;
	s10 =	sld [smem:$0x3FA2];
	_ =	sdelay $0x3  }
0x34: {  	[smem:$0x3FA2] =	sst s10  }
0x35: {  	s10 =	sld [smem:$0x3FA1];
	_ =	sdelay $0x3  }
0x36: {  	p1 =	seq.s32 s10, $0x1;
	s10 =	sld [smem:$0x3FA2];
	_ =	sdelay $0x3  }
0x37: {  	[smem:$0x3FA2] =	sst s10  }
0x38: {  	s10 =	sld [smem:$0x3FA3]  }
0x39: {  	_ = 	snop;
	(pc) =	sbr.ind lr, $3  }
0x3a: {  	_ = 	snop  }
0x3b: {  	_ = 	snop  }
0x3c: {  	p2 =	seq.s32 s10, $0x1;
	s10 =	sld [smem:$0x3FA2]  }
0x3d: {  	_ =	shalt  }
0x3e: {  	_ =	shalt  }
0x3f: {  	_ =	shalt  }
0x40: {  	_ =	shalt  }
0x41: {  	_ =	shalt  }
0x42: {  	_ =	shalt  }
0x43: {  	_ =	shalt  }
0x44: {  	_ =	shalt  }
0x45: {  	_ =	shalt  }
0x46: {  	_ =	shalt  }
0x47: {  	_ =	shalt  }
0x48: {  	_ =	shalt  }
0x49: {  	_ =	shalt  }
0x4a: {  	_ =	shalt  }
0x4b: {  	_ =	shalt  }
0x4c: {  	_ =	shalt  }
0x4d: {  	_ =	shalt  }
0x4e: {  	_ =	shalt  }
0x4f: {  	_ =	shalt  }
0x50: {  	_ =	shalt  }
0x51: {  	_ =	shalt  }
0x52: {  	_ =	shalt  }
0x53: {  	_ =	shalt  }
0x54: {  	_ =	shalt  }
0x55: {  	_ =	shalt  }
0x56: {  	_ =	shalt  }
0x57: {  	_ =	shalt  }
0x58: {  	_ =	shalt  }
0x59: {  	_ =	shalt  }
0x5a: {  	_ =	shalt  }
0x5b: {  	_ =	shalt  }
0x5c: {  	_ =	shalt  }
0x5d: {  	_ =	shalt  }
0x5e: {  	_ =	shalt  }
0x5f: {  	_ =	shalt  }
0x60: {  	_ =	shalt  }
0x61: {  	_ =	shalt  }
0x62: {  	_ =	shalt  }
0x63: {  	_ =	shalt  }
0x64: {  	_ =	shalt  }
0x65: {  	_ =	shalt  }
0x66: {  	_ =	shalt  }
0x67: {  	_ =	shalt  }
0x68: {  	_ =	shalt  }
0x69: {  	_ =	shalt  }
0x6a: {  	_ =	shalt  }
0x6b: {  	_ =	shalt  }
0x6c: {  	_ =	shalt  }
0x6d: {  	_ =	shalt  }
0x6e: {  	_ =	shalt  }
0x6f: {  	_ =	shalt  }
0x70: {  	_ =	shalt  }
0x71: {  	_ =	shalt  }
0x72: {  	_ =	shalt  }
0x73: {  	_ =	shalt  }
0x74: {  	_ =	shalt  }
0x75: {  	_ =	shalt  }
0x76: {  	_ =	shalt  }
0x77: {  	_ =	shalt  }
0x78: {  	_ =	shalt  }
0x79: {  	_ =	shalt  }
0x7a: {  	_ =	shalt  }
0x7b: {  	_ =	shalt  }
0x7c: {  	_ =	shalt  }
0x7d: {  	_ =	shalt  }
0x7e: {  	_ =	shalt  }
0x7f: {  	_ =	shalt  }
0x80: {  	_ =	shalt  }
0x81: {  	_ =	shalt  }
0x82: {  	_ =	shalt  }
0x83: {  	_ =	shalt  }
0x84: {  	_ =	shalt  }
0x85: {  	_ =	shalt  }
0x86: {  	_ =	shalt  }
0x87: {  	_ =	shalt  }
.Lfunc_end0:
.L_simem_size_0:
called_computation_lowered:
.L_overlay_start_0:
0x88: {  	s2 =	sld [smem:$0x3FD9]  }
0x89: {  	s3 =	sld [smem:$0x3FFE];
	_ =	sdelay $0x1  }
0x8a: {  	s1 =	srdreg.scid  }
0x8b: {  	s0 =	sand.u32 $0x1, s1  }
0x8c: {  	s17 =	sshll.u32 s0, $0xA;
	s2 =	sadd.s32 s3, s2  }
0x8d: {  	s2 =	sadd.s32 s2, s17  }
0x8e: {  	[smem:$0x3FAE] =	sst s2  }
0x8f: {  	_ = 	snop  }
0x90: {  	s2 =	sld [smem:$0x3FC7]  }
0x91: {  	s18 =	sld [smem:$0x3FD0];
	(tm) =	ssettm $0x1  }
0x92: {  	s4 =	sld [smem:$0x3FFB];
	_ =	sdelay $0x3  }
0x93: {  	_ =	strace s4  }
0x94: {  	s4 =	sld [smem:$0x3FFC];
	_ =	sdelay $0x3  }
0x95: {  	_ =	strace s4  }
0x96: {  	s4 =	sld [smem:$0x3FFD];
	_ =	sdelay $0x3  }
0x97: {  	_ =	strace s4  }
0x98: {  	_ =	strace $0x8FFFFFFF  }
0x99: {  	s19 =	sld [smem:$0x3FDB];
	_ =	sdelay $0x1  }
0x9a: {  	s5 =	simm.s32 $_scs_section_size  }
0x9b: {  	s6 =	simm.s32 $_size__tile_overlayer_lowered;
	s7 =	simm.s32 $_tile_overlayer_lowered  }
0x9c: {  	s22 =	simm.s32 $0x1BFF;
	s21 =	sshll.u32 s7, $0x1;
	s4 =	sadd.s32 s5, s19  }
0x9d: {  	s8 =	simm.s32 $0x0;
	s20 =	sshll.u32 s6, $0x1;
	s6 =	sadd.s32 s21, s4  }
0x9e: {  	[timem:s8], [sflag:s22] =	dma.local [hbm:s6], s20  }
0x9f: {  	_ =	swait.ge [sflag:s22], s20  }
0xa0: {  	s5 =	ssub.s32 $0x0, s20;
	[sflag:s22] =	ssyncset.done $0x0  }
0xa1: {  	[sflag:s22] =	ssyncadd.s32 s5;
	_ =	sdelay $0x1  }
0xa2: {  	s23 =	simm.s32 $0x1B8B  }
0xa3: {  	_ =	swait.ge [sflag:s23], $0x1  }
0xa4: {  	[sflag:s23] =	ssyncset.done $0x0  }
0xa5: {  	s25 =	simm.s32 $0x1B8E;
	s24 =	sld [smem:$0x3FFE];
	[sflag:s23] =	ssyncadd.s32 $0xFFFFFFFF  }
0xa6: {  	s26 =	simm.s32 $execute0_lowered;
	[smem:$0x3FD2] =	sst s25  }
0xa7: {  	s6 =	sshll.u32 s26, $0x1;
	_ =	strace $0x80000046;
	[dreg:$0x1] =	wrdreg $0xFFFFFFFF  }
0xa8: {  	s28 =	simm.s32 $_size_execute0_lowered;
	s4 =	sadd.s32 s4, s6;
	[dreg:$0x0] =	wrdreg $0x0  }
0xa9: {  	s6 =	sshll.u32 s28, $0x1;
	[dreg:$0x2] =	wrdreg s4  }
0xaa: {  	[dreg:$0x3] =	wrdreg s6  }
0xab: {  	[dreg:$0x4] =	wrdreg $0xC0  }
0xac: {  	_ =	task [dreg:s8], $0x5FFFF  }
0xad: {  	[dreg:$0x1] =	wrdreg $0xFFFFFFFF  }
0xae: {  	[dreg:$0x0] =	wrdreg $0x60  }
0xaf: {  	[dreg:$0x2] =	wrdreg s24  }
0xb0: {  	[dreg:$0x3] =	wrdreg s2  }
0xb1: {  	[dreg:$0x4] =	wrdreg s18  }
0xb2: {  	[dreg:$0x5] =	wrdreg $0x9  }
0xb3: {  	_ =	task.clear_ibuf [dreg:s8], $0x6FFFF;
	_ =	strace $0x90000046  }
0xb4: {  	s29 =	simm.s32 $0x9;
	_ =	strace $0x80000048  }
0xb5: {  	_ =	swait.ge [sflag:s29], $0x1  }
0xb6: {  	[sflag:s29] =	ssyncadd.s32 $0xFFFFFFFF  }
0xb7: {  	_ =	strace $0x90000048  }
0xb8: {  	_ =	sfence  }
0xb9: {  	s30 =	sld [smem:$0x0];
	_ =	sdelay $0x2  }
0xba: {  	s31 =	sshll.u32 s1, $0xD;
	s1 =	sshrl.u32 s1, $0x2  }
0xbb: {  	s3 =	sand.u32 $0x4000, s31;
	s1 =	sadd.s32 s1, s30  }
0xbc: {  	s0 =	sor.u32 s3, s0;
	s1 =	sshll.u32 s1, $0x11  }
0xbd: {  	s0 =	sor.u32 s1, s0  }
0xbe: {  	s0 =	sadd.s32 $0x8F2B, s0  }
0xbf: {  	[sflag:s0] =	ssyncadd.remote.s32 $0x1  }
0xc0: {  	_ =	sfence.sel $0xFFFF  }
0xc1: {  	[dreg:$0x0] =	wrdreg $0xFFFFFFFF;
	(pc) =	sbr.abs _section_cstart, $3  }
0xc2: {  	[dreg:$0x1] =	wrdreg $0xFFFFFFFF  }
0xc3: {  	_ =	task.clear_ibuf [dreg:s8], $0x2FFFF;
	_ =	strace $0x9FFFFFFF  }
0xc4: {  	(tm) =	ssettm $0x7FFFFFFF  }
0xc5: {  	_ =	shalt  }
tec
execute0_lowered:
.L_overlay_start_1:
0x0: {  	(tag) =	ssettag $0x1  }
0x1: {  	v2 =	vlaneseq.u32;
	vm0 =	vmmov $0xffff;
	v3 =	vimm.s32 $0x3A00  }
0x2: {  	vm15 =	vcmask $0x300;
	v4 =	vimm.s32 $0x3A80;
	vm14 =	vcmask $0x704  }
0x3: {  	vm13 =	vcmask $0xB08;
	vm12 =	vcmask $0xF0C;
	vm11 =	vcmask $0x1310  }
0x4: {  	vm10 =	vcmask $0x1714;
	vm9 =	vcmask $0x1B18;
	vm8 =	vcmask $0x1F1C  }
0x5: {  	vm7 =	vcmask $0x2320;
	vm6 =	vcmask $0x2724;
	vm5 =	vcmask $0x2B28  }
0x6: {  	vm4 =	vcmask $0x2F2C;
	vm3 =	vcmask $0x3330;
	vm2 =	vcmask $0x3734  }
0x7: {  	vm1 =	vcmask $0x3B38;
	v7 =	vimm.s32 $0x3B80;
	v8 =	vimm.s32 $0x3E00  }
0x8: {  	v9 =	vimm.s32 $0x3E80;
	v10 =	vimm.s32 $0x3F00;
	v11 =	vimm.s32 $0x3F80  }
0x9: {  	v0 =	vand.u32 $0x7, v2;
	v1 =	vshrl.u32 v2, $0x3;
	v2 =	vor.u32 $0x8, v2  }
0xa: {  	v3 =	vsel vm15, $0x0, v3;
	v4 =	vsel vm15, $0x80, v4;
	v7 =	vsel vm15, $0x180, v7  }
0xb: {  	v8 =	vsel vm15, $0x400, v8;
	v9 =	vsel vm15, $0x480, v9;
	v10 =	vsel vm15, $0x500, v10  }
0xc: {  	v11 =	vsel vm15, $0x580, v11;
	v1 =	vmul.u32 $0x8, v1;
	v3 =	vsel vm14, $0x200, v3  }
0xd: {  	v4 =	vsel vm14, $0x280, v4;
	v7 =	vsel vm14, $0x380, v7;
	v8 =	vsel vm14, $0x600, v8  }
0xe: {  	v9 =	vsel vm14, $0x680, v9;
	v10 =	vsel vm14, $0x700, v10;
	v11 =	vsel vm14, $0x780, v11  }
0xf: {  	v3 =	vsel vm13, $0x800, v3;
	v4 =	vsel vm13, $0x880, v4;
	v7 =	vsel vm13, $0x980, v7  }
0x10: {  	v8 =	vsel vm13, $0xC00, v8;
	v9 =	vsel vm13, $0xC80, v9;
	v10 =	vsel vm13, $0xD00, v10  }
0x11: {  	v11 =	vsel vm13, $0xD80, v11;
	v3 =	vsel vm12, $0xA00, v3;
	v4 =	vsel vm12, $0xA80, v4  }
0x12: {  	v7 =	vsel vm12, $0xB80, v7;
	v8 =	vsel vm12, $0xE00, v8;
	v9 =	vsel vm12, $0xE80, v9  }
0x13: {  	v10 =	vsel vm12, $0xF00, v10;
	v11 =	vsel vm12, $0xF80, v11;
	v3 =	vsel vm11, $0x1000, v3  }
0x14: {  	v4 =	vsel vm11, $0x1080, v4;
	v7 =	vsel vm11, $0x1180, v7;
	v8 =	vsel vm11, $0x1400, v8  }
0x15: {  	v9 =	vsel vm11, $0x1480, v9;
	v10 =	vsel vm11, $0x1500, v10;
	v11 =	vsel vm11, $0x1580, v11  }
0x16: {  	v3 =	vsel vm10, $0x1200, v3;
	v4 =	vsel vm10, $0x1280, v4;
	v7 =	vsel vm10, $0x1380, v7  }
0x17: {  	v8 =	vsel vm10, $0x1600, v8;
	v9 =	vsel vm10, $0x1680, v9;
	v10 =	vsel vm10, $0x1700, v10  }
0x18: {  	v11 =	vsel vm10, $0x1780, v11;
	v3 =	vsel vm9, $0x1800, v3;
	v4 =	vsel vm9, $0x1880, v4  }
0x19: {  	v7 =	vsel vm9, $0x1980, v7;
	v8 =	vsel vm9, $0x1C00, v8;
	v9 =	vsel vm9, $0x1C80, v9  }
0x1a: {  	v10 =	vsel vm9, $0x1D00, v10;
	v11 =	vsel vm9, $0x1D80, v11;
	v3 =	vsel vm8, $0x1A00, v3  }
0x1b: {  	v4 =	vsel vm8, $0x1A80, v4;
	v7 =	vsel vm8, $0x1B80, v7;
	v8 =	vsel vm8, $0x1E00, v8  }
0x1c: {  	s3 =	rddreg [dreg:$0x0];
	v9 =	vsel vm8, $0x1E80, v9;
	v10 =	vsel vm8, $0x1F00, v10;
	v11 =	vsel vm8, $0x1F80, v11  }
0x1d: {  	s0 =	rddreg [dreg:$0x1];
	v3 =	vsel vm7, $0x2000, v3;
	v4 =	vsel vm7, $0x2080, v4;
	v7 =	vsel vm7, $0x2180, v7  }
0x1e: {  	s1 =	rddreg [dreg:$0x2];
	s2 =	simm.s32 $0x0;
	s4 =	srdreg.scid;
	v8 =	vsel vm7, $0x2400, v8;
	v3 =	vsel vm6, $0x2200, v3;
	v4 =	vsel vm6, $0x2280, v4  }
0x1f: {  	s5 =	stileid.u32;
	s29 =	simm.s32 $0x1;
	s30 =	simm.s32 $0x3;
	v9 =	vsel vm7, $0x2480, v9;
	v3 =	vsel vm5, $0x2800, v3;
	v4 =	vsel vm5, $0x2880, v4  }
0x20: {  	s31 =	simm.s32 $0x5;
	[smem:$0x7FF] =	sst s2;
	s7 =	sand.u32 $0x1, s4;
	v10 =	vsel vm7, $0x2500, v10;
	v3 =	vsel vm4, $0x2A00, v3;
	v4 =	vsel vm4, $0x2A80, v4  }
0x21: {  	s6 =	sshll.u32 s5, $0x1;
	s4 =	sadd.s32 $0x4E6E00, s3;
	s5 =	sadd.s32 $0x50E000, s3;
	v11 =	vsel vm7, $0x2580, v11;
	v3 =	vsel vm3, $0x3000, v3;
	v4 =	vsel vm3, $0x3080, v4  }
0x22: {  	s13 =	simm.s32 $0x0;
	s12 =	sadd.s32 $0xA1400, s3;
	_ =	strace $0x80000047;
	v7 =	vsel vm6, $0x2380, v7;
	v5 =	vsel vm2, $0x3200, v3;
	v6 =	vsel vm2, $0x3280, v4  }
0x23: {  	s8 =	sor.u32 s7, s6;
	s6 =	sadd.s32 $0x53200, s3;
	s9 =	ssub.s32 $0x2, s7;
	v4 =	vsel vm1, $0x3800, v5;
	v5 =	vsel vm1, $0x3880, v6;
	v6 =	vimm.s32 $0x3B00  }
0x24: {  	s7 =	sadd.s32 $0x5000, s3;
	[dreg:$0x4] =	wrdreg s12;
	s3 =	sadd.s32 $0x4E00, s3;
	v8 =	vsel vm6, $0x2600, v8;
	v9 =	vsel vm6, $0x2680, v9;
	v6 =	vsel vm15, $0x100, v6  }
0x25: {  	s12 =	simm.s32 $0xB;
	s10 =	smul.u32 $0x2710, s8;
	s11 =	sshrl.u32 s9, $0x1;
	v10 =	vsel vm6, $0x2700, v10;
	v11 =	vsel vm6, $0x2780, v11;
	v6 =	vsel vm14, $0x300, v6  }
0x26: {  	s8 =	smul.u32 $0x1388, s8;
	[dreg:$0x5] =	wrdreg s3;
	s3 =	simm.s32 $0x2;
	v7 =	vsel vm5, $0x2980, v7;
	v8 =	vsel vm5, $0x2C00, v8;
	v6 =	vsel vm13, $0x900, v6  }
0x27: {  	s19 =	ssub.s32 s9, s11;
	s9 =	simm.s32 $0x8300;
	s11 =	simm.s32 $0xA;
	v9 =	vsel vm5, $0x2C80, v9;
	v10 =	vsel vm5, $0x2D00, v10;
	v6 =	vsel vm12, $0xB00, v6  }
0x28: {  	s20 =	sadd.s32 s4, s8;
	s21 =	sshrl.u32 s10, $0x3;
	s22 =	sadd.s32 $0x10, s10;
	v11 =	vsel vm5, $0x2D80, v11;
	v7 =	vsel vm4, $0x2B80, v7;
	v6 =	vsel vm11, $0x1100, v6  }
0x29: {  	s8 =	sadd.s32 s5, s8;
	s16 =	sadd.s32 $0x20, s10;
	s17 =	sadd.s32 $0x30, s10;
	v8 =	vsel vm4, $0x2E00, v8;
	v9 =	vsel vm4, $0x2E80, v9;
	v6 =	vsel vm10, $0x1300, v6  }
0x2a: {  	s28 =	smax.u32 s19, $0x1;
	s19 =	simm.s32 $0x7;
	[dreg:$0x6] =	wrdreg s20;
	v10 =	vsel vm4, $0x2F00, v10;
	v11 =	vsel vm4, $0x2F80, v11;
	v6 =	vsel vm9, $0x1900, v6  }
0x2b: {  	s10 =	simm.s32 $0x8;
	[dreg:$0x7] =	wrdreg s8;
	s23 =	sadd.s32 s0, s21;
	v7 =	vsel vm3, $0x3180, v7;
	v8 =	vsel vm3, $0x3400, v8;
	v6 =	vsel vm8, $0x1B00, v6  }
0x2c: {  	s24 =	sshrl.u32 s22, $0x1;
	s26 =	sshrl.u32 s22, $0x3;
	s1 =	sadd.s32 s1, s21;
	v9 =	vsel vm3, $0x3480, v9;
	v10 =	vsel vm3, $0x3500, v10;
	v6 =	vsel vm7, $0x2100, v6  }
0x2d: {  	[dreg:$0xd] =	wrdreg s28;
	s20 =	simm.s32 $0x10300;
	s22 =	simm.s32 $0x11300;
	v11 =	vsel vm3, $0x3580, v11;
	v3 =	vimm.s32 $0x80;
	v6 =	vsel vm6, $0x2300, v6  }
.Ltmp0:
0x2e: {  	s21 =	simm.s32 $0x9;
	[dreg:$0x8] =	wrdreg s23;
	v7 =	vsel vm2, $0x3380, v7;
	v8 =	vsel vm2, $0x3600, v8;
	v6 =	vsel vm5, $0x2900, v6;
	(pc) =	sbr.rel .LBB2_1-.Ltmp0, $4  }
0x2f: {  	s25 =	sadd.s32 s4, s24;
	s8 =	sadd.s32 s5, s24;
	[dreg:$0xc] =	wrdreg s1;
	v9 =	vsel vm2, $0x3680, v9;
	v10 =	vsel vm2, $0x3700, v10;
	v6 =	vsel vm4, $0x2B00, v6  }
0x30: {  	s1 =	simm.s32 $0x300;
	s23 =	simm.s32 $0x4;
	[dreg:$0x9] =	wrdreg s25;
	v11 =	vsel vm2, $0x3780, v11;
	v7 =	vsel vm1, $0x3980, v7;
	v6 =	vsel vm3, $0x3100, v6  }
0x31: {  	s24 =	simm.s32 $0x6;
	[dreg:$0xa] =	wrdreg s8;
	s8 =	sadd.s32 s0, s26;
	v8 =	vsel vm1, $0x3C00, v8;
	v9 =	vsel vm1, $0x3C80, v9;
	v6 =	vsel vm2, $0x3300, v6  }
0x32: {  	s25 =	simm.s32 $0x4300;
	s26 =	simm.s32 $0xC300;
	[dreg:$0xb] =	wrdreg s8;
	v10 =	vsel vm1, $0x3D00, v10;
	v11 =	vsel vm1, $0x3D80, v11;
	v6 =	vsel vm1, $0x3900, v6  }
.LBB2_11:
0x33: {  	s8 =	rddreg [dreg:$0xc];
	s12 =	simm.s32 $0x11400  }
0x34: {  	[hbm4b:s8+s2] =	stream.linear.scatter [tilespmem:s12], [sflag:$0xB], $0x2710, $0x38;
	[tilespmem:$0x13B80] =	vst v63  }
0x35: {  	s12 =	simm.s32 $0xB  }
0x36: {  	_ =	swait.ge [sflag:s12], $0x2710  }
0x37: {  	s13 =	rddreg [dreg:$0xe]  }
0x38: {  	s28 =	rddreg [dreg:$0xd];
	s13 =	sadd.s32 $0x1, s13  }
0x39: {  	p0 =	sne.s32 s13, s28  }
.Ltmp1:
0x3a: {  	_ = 	snop;
	(pc) =	sbr.rel @!p0 .LBB2_12-.Ltmp1, $3  }
0x3b: {  	_ =	sdelay $0x1  }
0x3c: {  	[sflag:s12] =	ssyncset.done $0x0  }
0x3d: {  	[sflag:s12] =	ssyncadd.s32 $0xFFFFD8F0  }
.LBB2_1:
0x3e: {  	[dreg:$0xe] =	wrdreg s13  }
0x3f: {  	s8 =	rddreg [dreg:$0x4]  }
0x40: {  	[tilespmem:s20], [sflag:$0xB] =	stream.linear.gather [hbm4b:s8+s2], $0x1000, $0x38;
	[tilespmem:$0x13B80] =	vst v63  }
0x41: {  	_ =	swait.ge [sflag:s12], $0x1000  }
0x42: {  	[sflag:s12] =	ssyncset.done $0x0  }
0x43: {  	s18 =	rddreg [dreg:$0x5];
	[sflag:s12] =	ssyncadd.s32 $0xFFFFF000  }
0x44: {  	[tilespmem:s22], [sflag:$0xB] =	stream.linear.gather [hbm4b:s18+s2], $0x100, $0x38;
	[tilespmem:$0x13B80] =	vst v63  }
0x45: {  	_ =	swait.ge [sflag:s12], $0x100  }
0x46: {  	[sflag:s12] =	ssyncset.done $0x0  }
0x47: {  	s28 =	rddreg [dreg:$0x6];
	[sflag:s12] =	ssyncadd.s32 $0xFFFFFF00  }
0x48: {  	[tilespmem:s2], [sflag:$0x1] =	stream.linear.gather [hbm4b:s28+s2], $0x40, $0x38;
	[tilespmem:$0x13B80] =	vst v63  }
0x49: {  	s13 =	simm.s32 $0x100;
	s12 =	rddreg [dreg:$0x7]  }
0x4a: {  	[tilespmem:s13], [sflag:$0x3] =	stream.linear.gather [hbm4b:s12+s2], $0x40, $0x38;
	[tilespmem:$0x13B80] =	vst v63  }
0x4b: {  	s15 =	simm.s32 $0x200;
	s14 =	rddreg [dreg:$0x8]  }
0x4c: {  	[tilespmem:s15], [sflag:$0x5] =	stream.linear.gather [hbm4b:s14+s2], $0x10, $0x38;
	[tilespmem:$0x13B80] =	vst v63  }
0x4d: {  	s18 =	rddreg [dreg:$0x9];
	s28 =	simm.s32 $0x80  }
0x4e: {  	[tilespmem:s28], [sflag:$0x2] =	stream.linear.gather [hbm4b:s18+s2], $0x40, $0x38;
	[tilespmem:$0x13B80] =	vst v63  }
0x4f: {  	s12 =	rddreg [dreg:$0xa];
	s13 =	simm.s32 $0x180  }
0x50: {  	[tilespmem:s13], [sflag:$0x4] =	stream.linear.gather [hbm4b:s12+s2], $0x40, $0x38;
	[tilespmem:$0x13B80] =	vst v63  }
0x51: {  	s14 =	rddreg [dreg:$0xb];
	s15 =	simm.s32 $0x280  }
0x52: {  	[tilespmem:s15], [sflag:$0x6] =	stream.linear.gather [hbm4b:s14+s2], $0x10, $0x38;
	[tilespmem:$0x13B80] =	vst v63  }
0x53: {  	_ =	swait.ge [sflag:s29], $0x40  }
0x54: {  	[sflag:s29] =	ssyncset.done $0x0  }
0x55: {  	[sflag:s29] =	ssyncadd.s32 $0xFFFFFFC0  }
0x56: {  	_ =	swait.ge [sflag:s30], $0x40  }
0x57: {  	[sflag:s30] =	ssyncset.done $0x0  }
0x58: {  	[sflag:s30] =	ssyncadd.s32 $0xFFFFFFC0  }
0x59: {  	_ =	swait.ge [sflag:s31], $0x10  }
0x5a: {  	[sflag:s31] =	ssyncset.done $0x0  }
0x5b: {  	[sflag:s31] =	ssyncadd.s32 $0xFFFFFFF0  }
0x5c: {  	v12 =	vld [tilespmem:$0x0];
	_ =	sdelay $0x4  }
0x5d: {  	v13 =	vshll.u32 v12, $0x1  }
0x5e: {  	v12 =	vand.u32 $0x7, v12;
	v13 =	vand.u32 $0xFFFFFFF0, v13  }
0x5f: {  	v12 =	vor.u32 v12, v13  }
0x60: {  	v13 =	vperm.xlane v12, v0;
	_ =	sdelay $0x1  }
0x61: {  	v12 =	vperm.xlane v12, v2;
	v13 =	vadd.s32 v1, v13;
	_ =	sdelay $0x1  }
0x62: {  	v12 =	vadd.s32 v1, v12;
	_ =	sdelay $0x2  }
0x63: {  	[tilespmem:s1], [sflag:$0x7] =	stream.indirect_vreg.gather [hbm4b:s6+s2], $0x80, v13, vm0, $0xb8;
	[tilespmem:$0x13B80] =	vst v63  }
0x64: {  	s18 =	simm.s32 $0xB00  }
0x65: {  	[tilespmem:s18], [sflag:$0x7] =	stream.indirect_vreg.gather [hbm4b:s6+s2], $0x80, v12, vm0, $0xb8;
	[tilespmem:$0x13B80] =	vst v63  }
0x66: {  	v12 =	vld [tilespmem:$0x10];
	_ =	sdelay $0x4  }
0x67: {  	v13 =	vshll.u32 v12, $0x1  }
0x68: {  	v12 =	vand.u32 $0x7, v12;
	v13 =	vand.u32 $0xFFFFFFF0, v13  }
0x69: {  	v12 =	vor.u32 v12, v13  }
0x6a: {  	v13 =	vperm.xlane v12, v0;
	_ =	sdelay $0x1  }
0x6b: {  	v12 =	vperm.xlane v12, v2;
	v13 =	vadd.s32 v1, v13;
	_ =	sdelay $0x1  }
0x6c: {  	v12 =	vadd.s32 v1, v12;
	_ =	sdelay $0x1  }
0x6d: {  	s28 =	simm.s32 $0x1300  }
0x6e: {  	[tilespmem:s28], [sflag:$0x7] =	stream.indirect_vreg.gather [hbm4b:s6+s2], $0x80, v13, vm0, $0xb8;
	[tilespmem:$0x13B80] =	vst v63  }
0x6f: {  	s12 =	simm.s32 $0x1B00  }
0x70: {  	[tilespmem:s12], [sflag:$0x7] =	stream.indirect_vreg.gather [hbm4b:s6+s2], $0x80, v12, vm0, $0xb8;
	[tilespmem:$0x13B80] =	vst v63  }
0x71: {  	v12 =	vld [tilespmem:$0x20];
	_ =	sdelay $0x4  }
0x72: {  	v13 =	vshll.u32 v12, $0x1  }
0x73: {  	v12 =	vand.u32 $0x7, v12;
	v13 =	vand.u32 $0xFFFFFFF0, v13  }
0x74: {  	v12 =	vor.u32 v12, v13  }
0x75: {  	v13 =	vperm.xlane v12, v0;
	_ =	sdelay $0x1  }
0x76: {  	v12 =	vperm.xlane v12, v2;
	v13 =	vadd.s32 v1, v13;
	_ =	sdelay $0x1  }
0x77: {  	v12 =	vadd.s32 v1, v12;
	_ =	sdelay $0x1  }
0x78: {  	s13 =	simm.s32 $0x2300  }
0x79: {  	[tilespmem:s13], [sflag:$0x7] =	stream.indirect_vreg.gather [hbm4b:s6+s2], $0x80, v13, vm0, $0xb8;
	[tilespmem:$0x13B80] =	vst v63  }
0x7a: {  	s14 =	simm.s32 $0x2B00  }
0x7b: {  	[tilespmem:s14], [sflag:$0x7] =	stream.indirect_vreg.gather [hbm4b:s6+s2], $0x80, v12, vm0, $0xb8;
	[tilespmem:$0x13B80] =	vst v63  }
0x7c: {  	v12 =	vld [tilespmem:$0x30];
	_ =	sdelay $0x4  }
0x7d: {  	v13 =	vshll.u32 v12, $0x1  }
0x7e: {  	v12 =	vand.u32 $0x7, v12;
	v13 =	vand.u32 $0xFFFFFFF0, v13  }
0x7f: {  	v12 =	vor.u32 v12, v13  }
0x80: {  	v13 =	vperm.xlane v12, v0;
	_ =	sdelay $0x1  }
0x81: {  	v12 =	vperm.xlane v12, v2;
	v13 =	vadd.s32 v1, v13;
	_ =	sdelay $0x1  }
0x82: {  	v12 =	vadd.s32 v1, v12;
	_ =	sdelay $0x1  }
0x83: {  	s15 =	simm.s32 $0x3300  }
0x84: {  	[tilespmem:s15], [sflag:$0x7] =	stream.indirect_vreg.gather [hbm4b:s6+s2], $0x80, v13, vm0, $0xb8;
	[tilespmem:$0x13B80] =	vst v63  }
0x85: {  	s18 =	simm.s32 $0x3B00  }
0x86: {  	[tilespmem:s18], [sflag:$0x7] =	stream.indirect_vreg.gather [hbm4b:s6+s2], $0x80, v12, vm0, $0xb8;
	[tilespmem:$0x13B80] =	vst v63  }
0x87: {  	v12 =	vld [tilespmem:$0x100];
	_ =	sdelay $0x4  }
0x88: {  	v13 =	vshll.u32 v12, $0x1  }
0x89: {  	v12 =	vand.u32 $0x7, v12;
	v13 =	vand.u32 $0xFFFFFFF0, v13  }
0x8a: {  	v12 =	vor.u32 v12, v13  }
0x8b: {  	v13 =	vperm.xlane v12, v0;
	_ =	sdelay $0x1  }
0x8c: {  	v12 =	vperm.xlane v12, v2;
	v13 =	vadd.s32 v1, v13;
	_ =	sdelay $0x1  }
0x8d: {  	v12 =	vadd.s32 v1, v12;
	_ =	sdelay $0x2  }
0x8e: {  	[tilespmem:s9], [sflag:$0x9] =	stream.indirect_vreg.gather [hbm4b:s7+s2], $0x80, v13, vm0, $0xb8;
	[tilespmem:$0x13B80] =	vst v63  }
0x8f: {  	s28 =	simm.s32 $0x8B00  }
0x90: {  	[tilespmem:s28], [sflag:$0x9] =	stream.indirect_vreg.gather [hbm4b:s7+s2], $0x80, v12, vm0, $0xb8;
	[tilespmem:$0x13B80] =	vst v63  }
0x91: {  	v12 =	vld [tilespmem:$0x110];
	_ =	sdelay $0x4  }
0x92: {  	v13 =	vshll.u32 v12, $0x1  }
0x93: {  	v12 =	vand.u32 $0x7, v12;
	v13 =	vand.u32 $0xFFFFFFF0, v13  }
0x94: {  	v12 =	vor.u32 v12, v13  }
0x95: {  	v13 =	vperm.xlane v12, v0;
	_ =	sdelay $0x1  }
0x96: {  	v12 =	vperm.xlane v12, v2;
	v13 =	vadd.s32 v1, v13;
	_ =	sdelay $0x1  }
0x97: {  	v12 =	vadd.s32 v1, v12;
	_ =	sdelay $0x1  }
0x98: {  	s12 =	simm.s32 $0x9300  }
0x99: {  	[tilespmem:s12], [sflag:$0x9] =	stream.indirect_vreg.gather [hbm4b:s7+s2], $0x80, v13, vm0, $0xb8;
	[tilespmem:$0x13B80] =	vst v63  }
0x9a: {  	s13 =	simm.s32 $0x9B00  }
0x9b: {  	[tilespmem:s13], [sflag:$0x9] =	stream.indirect_vreg.gather [hbm4b:s7+s2], $0x80, v12, vm0, $0xb8;
	[tilespmem:$0x13B80] =	vst v63  }
0x9c: {  	v12 =	vld [tilespmem:$0x120];
	_ =	sdelay $0x4  }
0x9d: {  	v13 =	vshll.u32 v12, $0x1  }
0x9e: {  	v12 =	vand.u32 $0x7, v12;
	v13 =	vand.u32 $0xFFFFFFF0, v13  }
0x9f: {  	v12 =	vor.u32 v12, v13  }
0xa0: {  	v13 =	vperm.xlane v12, v0;
	_ =	sdelay $0x1  }
0xa1: {  	v12 =	vperm.xlane v12, v2;
	v13 =	vadd.s32 v1, v13;
	_ =	sdelay $0x1  }
0xa2: {  	v12 =	vadd.s32 v1, v12;
	_ =	sdelay $0x1  }
0xa3: {  	s14 =	simm.s32 $0xA300  }
0xa4: {  	[tilespmem:s14], [sflag:$0x9] =	stream.indirect_vreg.gather [hbm4b:s7+s2], $0x80, v13, vm0, $0xb8;
	[tilespmem:$0x13B80] =	vst v63  }
0xa5: {  	s15 =	simm.s32 $0xAB00  }
0xa6: {  	[tilespmem:s15], [sflag:$0x9] =	stream.indirect_vreg.gather [hbm4b:s7+s2], $0x80, v12, vm0, $0xb8;
	[tilespmem:$0x13B80] =	vst v63  }
0xa7: {  	v12 =	vld [tilespmem:$0x130];
	_ =	sdelay $0x4  }
0xa8: {  	v13 =	vshll.u32 v12, $0x1  }
0xa9: {  	v12 =	vand.u32 $0x7, v12;
	v13 =	vand.u32 $0xFFFFFFF0, v13  }
0xaa: {  	v12 =	vor.u32 v12, v13  }
0xab: {  	v13 =	vperm.xlane v12, v0;
	_ =	sdelay $0x1  }
0xac: {  	v12 =	vperm.xlane v12, v2;
	v13 =	vadd.s32 v1, v13;
	_ =	sdelay $0x1  }
0xad: {  	v12 =	vadd.s32 v1, v12;
	_ =	sdelay $0x1  }
.Ltmp2:
0xae: {  	s18 =	simm.s32 $0xB300;
	(pc) =	sbr.rel .LBB2_2-.Ltmp2, $4  }
0xaf: {  	[tilespmem:s18], [sflag:$0x9] =	stream.indirect_vreg.gather [hbm4b:s7+s2], $0x80, v13, vm0, $0xb8;
	[tilespmem:$0x13B80] =	vst v63  }
0xb0: {  	s28 =	simm.s32 $0xBB00  }
0xb1: {  	[tilespmem:s28], [sflag:$0x9] =	stream.indirect_vreg.gather [hbm4b:s7+s2], $0x80, v12, vm0, $0xb8;
	[tilespmem:$0x13B80] =	vst v63  }
0xb2: {  	s8 =	simm.s32 $0x0;
	v12 =	vld.idx.msk [tilespmem:v3+s22+$0x0], $0xffff  }
.LBB2_10:
0xb3: {  	s8 =	sadd.s32 $0x1, s8  }
0xb4: {  	p0 =	sne.s32 s8, $0x139  }
.Ltmp3:
0xb5: {  	_ = 	snop;
	(pc) =	sbr.rel @!p0 .LBB2_11-.Ltmp3, $1  }
0xb6: {  	_ =	sdelay $0x3  }
.LBB2_2:
0xb7: {  	s28 =	sshllo.u32 s8, $0x1  }
0xb8: {  	_ =	swait.ge [sflag:s19], $0x4000;
	p0 =	sgt.u32 s28, $0x270  }
.Ltmp4:
0xb9: {  	[sflag:s19] =	ssyncset.done $0x0;
	(pc) =	sbr.rel @p0 .LBB2_4-.Ltmp4, $4  }
0xba: {  	[sflag:s19] =	ssyncadd.s32 $0xFFFFC000  }
0xbb: {  	_ =	swait.ge [sflag:s21], $0x4000  }
0xbc: {  	[sflag:s21] =	ssyncset.done $0x0  }
0xbd: {  	[sflag:s21] =	ssyncadd.s32 $0xFFFFC000  }
0xbe: {  	_ =	swait.ge [sflag:s3], $0x40  }
0xbf: {  	[sflag:s3] =	ssyncset.done $0x0  }
0xc0: {  	[sflag:s3] =	ssyncadd.s32 $0xFFFFFFC0  }
0xc1: {  	_ =	swait.ge [sflag:s23], $0x40  }
0xc2: {  	[sflag:s23] =	ssyncset.done $0x0  }
0xc3: {  	[sflag:s23] =	ssyncadd.s32 $0xFFFFFFC0  }
0xc4: {  	_ =	swait.ge [sflag:s24], $0x10  }
0xc5: {  	[sflag:s24] =	ssyncset.done $0x0  }
0xc6: {  	[sflag:s24] =	ssyncadd.s32 $0xFFFFFFF0  }
0xc7: {  	v13 =	vld [tilespmem:$0x80];
	_ =	sdelay $0x4  }
0xc8: {  	v14 =	vshll.u32 v13, $0x1  }
0xc9: {  	v13 =	vand.u32 $0x7, v13;
	v14 =	vand.u32 $0xFFFFFFF0, v14  }
0xca: {  	v13 =	vor.u32 v13, v14  }
0xcb: {  	v14 =	vperm.xlane v13, v0;
	_ =	sdelay $0x1  }
0xcc: {  	v13 =	vperm.xlane v13, v2;
	v14 =	vadd.s32 v1, v14;
	_ =	sdelay $0x1  }
0xcd: {  	v13 =	vadd.s32 v1, v13;
	_ =	sdelay $0x2  }
0xce: {  	[tilespmem:s25], [sflag:$0x8] =	stream.indirect_vreg.gather [hbm4b:s6+s2], $0x80, v14, vm0, $0xb8;
	[tilespmem:$0x13B80] =	vst v63  }
0xcf: {  	s12 =	simm.s32 $0x4B00  }
0xd0: {  	[tilespmem:s12], [sflag:$0x8] =	stream.indirect_vreg.gather [hbm4b:s6+s2], $0x80, v13, vm0, $0xb8;
	[tilespmem:$0x13B80] =	vst v63  }
0xd1: {  	v13 =	vld [tilespmem:$0x90];
	_ =	sdelay $0x4  }
0xd2: {  	v14 =	vshll.u32 v13, $0x1  }
0xd3: {  	v13 =	vand.u32 $0x7, v13;
	v14 =	vand.u32 $0xFFFFFFF0, v14  }
0xd4: {  	v13 =	vor.u32 v13, v14  }
0xd5: {  	v14 =	vperm.xlane v13, v0;
	_ =	sdelay $0x1  }
0xd6: {  	v13 =	vperm.xlane v13, v2;
	v14 =	vadd.s32 v1, v14;
	_ =	sdelay $0x1  }
0xd7: {  	v13 =	vadd.s32 v1, v13;
	_ =	sdelay $0x1  }
0xd8: {  	s18 =	simm.s32 $0x5300  }
0xd9: {  	[tilespmem:s18], [sflag:$0x8] =	stream.indirect_vreg.gather [hbm4b:s6+s2], $0x80, v14, vm0, $0xb8;
	[tilespmem:$0x13B80] =	vst v63  }
0xda: {  	s13 =	simm.s32 $0x5B00  }
0xdb: {  	[tilespmem:s13], [sflag:$0x8] =	stream.indirect_vreg.gather [hbm4b:s6+s2], $0x80, v13, vm0, $0xb8;
	[tilespmem:$0x13B80] =	vst v63  }
0xdc: {  	v13 =	vld [tilespmem:$0xA0];
	_ =	sdelay $0x4  }
0xdd: {  	v14 =	vshll.u32 v13, $0x1  }
0xde: {  	v13 =	vand.u32 $0x7, v13;
	v14 =	vand.u32 $0xFFFFFFF0, v14  }
0xdf: {  	v13 =	vor.u32 v13, v14  }
0xe0: {  	v14 =	vperm.xlane v13, v0;
	_ =	sdelay $0x1  }
0xe1: {  	v13 =	vperm.xlane v13, v2;
	v14 =	vadd.s32 v1, v14;
	_ =	sdelay $0x1  }
0xe2: {  	v13 =	vadd.s32 v1, v13;
	_ =	sdelay $0x1  }
0xe3: {  	s14 =	simm.s32 $0x6300  }
0xe4: {  	[tilespmem:s14], [sflag:$0x8] =	stream.indirect_vreg.gather [hbm4b:s6+s2], $0x80, v14, vm0, $0xb8;
	[tilespmem:$0x13B80] =	vst v63  }
0xe5: {  	s15 =	simm.s32 $0x6B00  }
0xe6: {  	[tilespmem:s15], [sflag:$0x8] =	stream.indirect_vreg.gather [hbm4b:s6+s2], $0x80, v13, vm0, $0xb8;
	[tilespmem:$0x13B80] =	vst v63  }
0xe7: {  	v13 =	vld [tilespmem:$0xB0];
	_ =	sdelay $0x4  }
0xe8: {  	v14 =	vshll.u32 v13, $0x1  }
0xe9: {  	v13 =	vand.u32 $0x7, v13;
	v14 =	vand.u32 $0xFFFFFFF0, v14  }
0xea: {  	v13 =	vor.u32 v13, v14  }
0xeb: {  	v14 =	vperm.xlane v13, v0;
	_ =	sdelay $0x1  }
0xec: {  	v13 =	vperm.xlane v13, v2;
	v14 =	vadd.s32 v1, v14;
	_ =	sdelay $0x1  }
0xed: {  	v13 =	vadd.s32 v1, v13;
	_ =	sdelay $0x1  }
0xee: {  	s18 =	simm.s32 $0x7300  }
0xef: {  	[tilespmem:s18], [sflag:$0x8] =	stream.indirect_vreg.gather [hbm4b:s6+s2], $0x80, v14, vm0, $0xb8;
	[tilespmem:$0x13B80] =	vst v63  }
0xf0: {  	s13 =	simm.s32 $0x7B00  }
0xf1: {  	[tilespmem:s13], [sflag:$0x8] =	stream.indirect_vreg.gather [hbm4b:s6+s2], $0x80, v13, vm0, $0xb8;
	[tilespmem:$0x13B80] =	vst v63  }
0xf2: {  	v13 =	vld [tilespmem:$0x180];
	_ =	sdelay $0x4  }
0xf3: {  	v14 =	vshll.u32 v13, $0x1  }
0xf4: {  	v13 =	vand.u32 $0x7, v13;
	v14 =	vand.u32 $0xFFFFFFF0, v14  }
0xf5: {  	v13 =	vor.u32 v13, v14  }
0xf6: {  	v14 =	vperm.xlane v13, v0;
	_ =	sdelay $0x1  }
0xf7: {  	v13 =	vperm.xlane v13, v2;
	v14 =	vadd.s32 v1, v14;
	_ =	sdelay $0x1  }
0xf8: {  	v13 =	vadd.s32 v1, v13;
	_ =	sdelay $0x2  }
0xf9: {  	[tilespmem:s26], [sflag:$0xA] =	stream.indirect_vreg.gather [hbm4b:s7+s2], $0x80, v14, vm0, $0xb8;
	[tilespmem:$0x13B80] =	vst v63  }
0xfa: {  	s14 =	simm.s32 $0xCB00  }
0xfb: {  	[tilespmem:s14], [sflag:$0xA] =	stream.indirect_vreg.gather [hbm4b:s7+s2], $0x80, v13, vm0, $0xb8;
	[tilespmem:$0x13B80] =	vst v63  }
0xfc: {  	v13 =	vld [tilespmem:$0x190];
	_ =	sdelay $0x4  }
0xfd: {  	v14 =	vshll.u32 v13, $0x1  }
0xfe: {  	v13 =	vand.u32 $0x7, v13;
	v14 =	vand.u32 $0xFFFFFFF0, v14  }
0xff: {  	v13 =	vor.u32 v13, v14  }
0x100: {  	v14 =	vperm.xlane v13, v0;
	_ =	sdelay $0x1  }
0x101: {  	v13 =	vperm.xlane v13, v2;
	v14 =	vadd.s32 v1, v14;
	_ =	sdelay $0x1  }
0x102: {  	v13 =	vadd.s32 v1, v13;
	_ =	sdelay $0x1  }
0x103: {  	s15 =	simm.s32 $0xD300  }
0x104: {  	[tilespmem:s15], [sflag:$0xA] =	stream.indirect_vreg.gather [hbm4b:s7+s2], $0x80, v14, vm0, $0xb8;
	[tilespmem:$0x13B80] =	vst v63  }
0x105: {  	s18 =	simm.s32 $0xDB00  }
0x106: {  	[tilespmem:s18], [sflag:$0xA] =	stream.indirect_vreg.gather [hbm4b:s7+s2], $0x80, v13, vm0, $0xb8;
	[tilespmem:$0x13B80] =	vst v63  }
0x107: {  	v13 =	vld [tilespmem:$0x1A0];
	_ =	sdelay $0x4  }
0x108: {  	v14 =	vshll.u32 v13, $0x1  }
0x109: {  	v13 =	vand.u32 $0x7, v13;
	v14 =	vand.u32 $0xFFFFFFF0, v14  }
0x10a: {  	v13 =	vor.u32 v13, v14  }
0x10b: {  	v14 =	vperm.xlane v13, v0;
	_ =	sdelay $0x1  }
0x10c: {  	v13 =	vperm.xlane v13, v2;
	v14 =	vadd.s32 v1, v14;
	_ =	sdelay $0x1  }
0x10d: {  	v13 =	vadd.s32 v1, v13;
	_ =	sdelay $0x1  }
0x10e: {  	s13 =	simm.s32 $0xE300  }
0x10f: {  	[tilespmem:s13], [sflag:$0xA] =	stream.indirect_vreg.gather [hbm4b:s7+s2], $0x80, v14, vm0, $0xb8;
	[tilespmem:$0x13B80] =	vst v63  }
0x110: {  	s14 =	simm.s32 $0xEB00  }
0x111: {  	[tilespmem:s14], [sflag:$0xA] =	stream.indirect_vreg.gather [hbm4b:s7+s2], $0x80, v13, vm0, $0xb8;
	[tilespmem:$0x13B80] =	vst v63  }
0x112: {  	v13 =	vld [tilespmem:$0x1B0];
	_ =	sdelay $0x4  }
0x113: {  	v14 =	vshll.u32 v13, $0x1  }
0x114: {  	v13 =	vand.u32 $0x7, v13;
	v14 =	vand.u32 $0xFFFFFFF0, v14  }
0x115: {  	v13 =	vor.u32 v13, v14  }
0x116: {  	v14 =	vperm.xlane v13, v0;
	_ =	sdelay $0x1  }
0x117: {  	v13 =	vperm.xlane v13, v2;
	v14 =	vadd.s32 v1, v14;
	_ =	sdelay $0x1  }
0x118: {  	v13 =	vadd.s32 v1, v13;
	_ =	sdelay $0x1  }
0x119: {  	s15 =	simm.s32 $0xF300  }
0x11a: {  	[tilespmem:s15], [sflag:$0xA] =	stream.indirect_vreg.gather [hbm4b:s7+s2], $0x80, v14, vm0, $0xb8;
	[tilespmem:$0x13B80] =	vst v63  }
0x11b: {  	s18 =	simm.s32 $0xFB00  }
0x11c: {  	[tilespmem:s18], [sflag:$0xA] =	stream.indirect_vreg.gather [hbm4b:s7+s2], $0x80, v13, vm0, $0xb8;
	[tilespmem:$0x13B80] =	vst v63  }
.LBB2_4:
0x11d: {  	p1 =	seq.s32 s8, $0x138  }
0x11e: {  	s12 =	sshll.u32 @!p1 s8, $0x5  }
0x11f: {  	s12 =	sadd.s32 @!p1 s12, s16  }
0x120: {  	s13 =	sshrl.u32 @!p1 s12, $0x1  }
0x121: {  	s13 =	sand.u32 @!p1 $0x1FFFFFF8, s13  }
0x122: {  	s18 =	simm.s32 $0x0;
	s15 =	simm.s32 @!p1 $0x0;
	s14 =	sadd.s32 @!p1 s4, s13  }
0x123: {  	[tilespmem:s15], [sflag:$0x1] =	stream.linear.gather @!p1 [hbm4b:s14+s15], $0x40, $0x38;
	[tilespmem:$0x13B80] =	vst v63  }
0x124: {  	v19 =	vor.u32 s18, v11;
	s12 =	sshrl.u32 @!p1 s12, $0x3;
	s13 =	sadd.s32 @!p1 s5, s13;
	s14 =	simm.s32 @!p1 $0x100  }
0x125: {  	v14 =	vor.u32 s18, v8;
	[tilespmem:s14], [sflag:$0x3] =	stream.linear.gather @!p1 [hbm4b:s13+s15], $0x40, $0x38;
	[tilespmem:$0x13B80] =	vst v63  }
0x126: {  	s12 =	sadd.s32 @!p1 s0, s12;
	s13 =	simm.s32 @!p1 $0x200  }
0x127: {  	v15 =	vor.u32 s18, v9;
	[tilespmem:s13], [sflag:$0x5] =	stream.linear.gather @!p1 [hbm4b:s12+s15], $0x10, $0x38;
	[tilespmem:$0x13B80] =	vst v63  }
0x128: {  	v18 =	vor.u32 s18, v6;
	v16 =	vld [tilespmem:$0x200]  }
0x129: {  	v17 =	vor.u32 s18, v4;
	v13 =	vld.idx.msk [tilespmem:v19+s1+$0x0], $0xffff  }
0x12a: {  	v28 =	vld.idx.msk [tilespmem:v14+s9+$0x0], $0xffff  }
0x12b: {  	v20 =	vor.u32 s18, v5;
	v24 =	vld.idx.msk [tilespmem:v14+s1+$0x0], $0xffff  }
0x12c: {  	v25 =	vld.idx.msk [tilespmem:v15+s1+$0x0], $0xffff  }
0x12d: {  	v22 =	vor.u32 s18, v7;
	v21 =	vld.idx.msk [tilespmem:v18+s1+$0x0], $0xffff  }
0x12e: {  	v23 =	vld.idx.msk [tilespmem:v17+s1+$0x0], $0xffff;
	v14 =	vshll.u32 v16, $0x8;
	v16 =	vshll.u32 v16, $0x7  }
0x12f: {  	v26 =	vld.idx.msk [tilespmem:v17+s9+$0x0], $0xffff;
	v14 =	vand.u32 $0xFFFFF800, v14;
	v16 =	vand.u32 $0x380, v16  }
0x130: {  	v16 =	vor.u32 v16, v14;
	v14 =	vld.idx.msk [tilespmem:v20+s1+$0x0], $0xffff  }
0x131: {  	v20 =	vld.idx.msk [tilespmem:v20+s9+$0x0], $0xffff;
	v27 =	vor.u32 s18, v16  }
0x132: {  	v30 =	vor.u32 s18, v10;
	v29 =	vld.idx.msk [tilespmem:v22+s1+$0x0], $0xffff  }
0x133: {  	v18 =	vld.idx.msk [tilespmem:v18+s9+$0x0], $0xffff  }
0x134: {  	v31 =	vld.idx.msk [tilespmem:v22+s9+$0x0], $0xffff;
	v17 =	vor.u32 $0x400, v16  }
0x135: {  	s12 =	simm.s32 $0x1;
	v33 =	vld.idx.msk [tilespmem:v15+s9+$0x0], $0xffff;
	v22 =	vor.u32 s18, v17;
	v14 =	vadd.f32 v14, v23  }
0x136: {  	v15 =	vor.u32 s12, v11;
	v20 =	vadd.f32 v20, v26;
	v27 =	vld.idx.msk [tilespmem:v27+s20+$0x0], $0xffff  }
0x137: {  	v32 =	vmov s18;
	v34 =	vld.idx.msk [tilespmem:v30+s1+$0x0], $0xffff;
	v14 =	vadd.f32 v21, v14  }
0x138: {  	v26 =	vor.u32 s12, v8;
	v23 =	vld.idx.msk [tilespmem:v30+s9+$0x0], $0xffff;
	v20 =	vadd.f32 v18, v20  }
0x139: {  	v30 =	vadd.f32 v25, v24;
	v25 =	vld.idx.msk [tilespmem:v19+s9+$0x0], $0xffff;
	v29 =	vadd.f32 v29, v14  }
0x13a: {  	v21 =	vld.idx.msk [tilespmem:v22+s20+$0x0], $0xffff;
	v63 =	vadd.f32 v31, v20;
	v20 =	vor.u32 s12, v9  }
0x13b: {  	v24 =	vld.idx.msk [tilespmem:v15+s1+$0x0], $0xffff;
	v22 =	vor.u32 s12, v6;
	v35 =	vmul.f32 v27, v29  }
0x13c: {  	v18 =	vld.idx.msk [tilespmem:v32+s22+$0x0], $0xffff;
	v14 =	vimm.f32 $0.0e+00;
	v27 =	vor.u32 s12, v4;
	v29 =	vadd.f32 v33, v28  }
0x13d: {  	s13 =	simm.s32 $0x2;
	v31 =	vadd.f32 v34, v30;
	v19 =	vld.idx.msk [tilespmem:v26+s9+$0x0], $0xffff;
	v28 =	vor.u32 s12, v5;
	v30 =	vmul.f32 v35, v63  }
.LBB2_5:
0x13e: {  	p1 =	sne.s32 s13, $0x7F;
	v32 =	vld.idx.msk [tilespmem:v26+s1+$0x0], $0xffff;
	v23 =	vadd.f32 v23, v29  }
0x13f: {  	v29 =	vld.idx.msk [tilespmem:v20+s1+$0x0], $0xffff;
	v33 =	vadd.f32 v13, v31;
	v21 =	vadd.f32 v30, v21  }
0x140: {  	v30 =	vor.u32 s12, v7;
	v26 =	vld.idx.msk [tilespmem:v22+s1+$0x0], $0xffff  }
0x141: {  	v23 =	vadd.f32 v25, v23;
	v31 =	vld.idx.msk [tilespmem:v27+s1+$0x0], $0xffff;
	v21 =	vadd.f32 v21, v33  }
0x142: {  	v13 =	vmov v24;
	v25 =	vld.idx.msk [tilespmem:v28+s1+$0x0], $0xffff  }
0x143: {  	v24 =	vld.idx.msk [tilespmem:v27+s9+$0x0], $0xffff;
	v27 =	vor.u32 s12, v16;
	v21 =	vadd.f32 v21, v23  }
0x144: {  	v23 =	vld.idx.msk [tilespmem:v28+s9+$0x0], $0xffff  }
0x145: {  	v33 =	vor.u32 s12, v10;
	v28 =	vld.idx.msk [tilespmem:v30+s1+$0x0], $0xffff;
	v21 =	vmax.f32 v21, $0.0e+00  }
0x146: {  	v22 =	vld.idx.msk [tilespmem:v22+s9+$0x0], $0xffff;
	v18 =	vmul.f32 v21, v18  }
0x147: {  	v21 =	vor.u32 s12, v17;
	v30 =	vld.idx.msk [tilespmem:v30+s9+$0x0], $0xffff  }
0x148: {  	v34 =	vmov s12;
	s12 =	smov.u32 s13;
	v25 =	vadd.f32 v25, v31;
	v27 =	vld.idx.msk [tilespmem:v27+s20+$0x0], $0xffff;
	v14 =	vadd.f32 v18, v14  }
0x149: {  	v31 =	vld.idx.msk [tilespmem:v20+s9+$0x0], $0xffff  }
0x14a: {  	v35 =	vor.u32 s13, v11;
	v18 =	vadd.f32 v26, v25;
	v20 =	vadd.f32 v23, v24;
	v36 =	vld.idx.msk [tilespmem:v33+s1+$0x0], $0xffff  }
0x14b: {  	v26 =	vor.u32 s13, v8;
	v23 =	vld.idx.msk [tilespmem:v33+s9+$0x0], $0xffff  }
.Ltmp5:
0x14c: {  	v24 =	vadd.f32 v28, v18;
	v25 =	vadd.f32 v22, v20;
	v21 =	vld.idx.msk [tilespmem:v21+s20+$0x0], $0xffff;
	(pc) =	sbr.rel @p1 .LBB2_5-.Ltmp5, $4  }
0x14d: {  	v22 =	vor.u32 s13, v6;
	v20 =	vor.u32 s13, v9;
	v18 =	vld.idx.msk [tilespmem:v34+s22+$0x0], $0xffff  }
0x14e: {  	v32 =	vadd.f32 v29, v32;
	v30 =	vadd.f32 v30, v25;
	v33 =	vmul.f32 v27, v24;
	v25 =	vld.idx.msk [tilespmem:v15+s9+$0x0], $0xffff  }
0x14f: {  	v27 =	vor.u32 s13, v4;
	v29 =	vadd.f32 v31, v19;
	v15 =	vmov v35;
	v24 =	vld.idx.msk [tilespmem:v35+s1+$0x0], $0xffff  }
0x150: {  	v28 =	vor.u32 s12, v5;
	s13 =	sadd.s32 $0x1, s13;
	v31 =	vadd.f32 v36, v32;
	v30 =	vmul.f32 v33, v30;
	v19 =	vld.idx.msk [tilespmem:v26+s9+$0x0], $0xffff  }
0x151: {  	_ =	sdelay $0x3  }
0x152: {  	v26 =	vld.idx.msk [tilespmem:v26+s1+$0x0], $0xffff  }
0x153: {  	v32 =	vld.idx.msk [tilespmem:v20+s1+$0x0], $0xffff  }
0x154: {  	v33 =	vld.idx.msk [tilespmem:v22+s1+$0x0], $0xffff  }
0x155: {  	v34 =	vor.u32 s12, v7;
	v35 =	vld.idx.msk [tilespmem:v27+s1+$0x0], $0xffff  }
0x156: {  	v36 =	vld.idx.msk [tilespmem:v28+s1+$0x0], $0xffff  }
0x157: {  	v53 =	vld.idx.msk [tilespmem:v27+s9+$0x0], $0xffff;
	v16 =	vor.u32 s12, v16  }
0x158: {  	v54 =	vld.idx.msk [tilespmem:v28+s9+$0x0], $0xffff  }
0x159: {  	v38 =	vor.u32 s12, v10;
	v55 =	vld.idx.msk [tilespmem:v22+s9+$0x0], $0xffff  }
0x15a: {  	v37 =	vld.idx.msk [tilespmem:v34+s1+$0x0], $0xffff  }
0x15b: {  	v17 =	vor.u32 s12, v17;
	v35 =	vadd.f32 v36, v35;
	v34 =	vld.idx.msk [tilespmem:v34+s9+$0x0], $0xffff  }
0x15c: {  	v16 =	vld.idx.msk [tilespmem:v16+s20+$0x0], $0xffff  }
0x15d: {  	v56 =	vld.idx.msk [tilespmem:v20+s9+$0x0], $0xffff;
	v27 =	vadd.f32 v54, v53;
	v33 =	vadd.f32 v33, v35  }
0x15e: {  	v57 =	vld.idx.msk [tilespmem:v38+s1+$0x0], $0xffff  }
0x15f: {  	v58 =	vld.idx.msk [tilespmem:v38+s9+$0x0], $0xffff;
	v22 =	vadd.f32 v55, v27;
	v33 =	vadd.f32 v37, v33  }
0x160: {  	v23 =	vadd.f32 v23, v29;
	v13 =	vadd.f32 v13, v31;
	v17 =	vld.idx.msk [tilespmem:v17+s20+$0x0], $0xffff  }
0x161: {  	v26 =	vadd.f32 v32, v26;
	v22 =	vadd.f32 v34, v22;
	v16 =	vmul.f32 v16, v33  }
0x162: {  	v59 =	vmov s12;
	v15 =	vld.idx.msk [tilespmem:v15+s9+$0x0], $0xffff;
	v21 =	vadd.f32 v30, v21;
	v19 =	vadd.f32 v56, v19  }
0x163: {  	v60 =	vadd.f32 v25, v23;
	v61 =	vadd.f32 v57, v26;
	v16 =	vmul.f32 v16, v22  }
0x164: {  	v13 =	vadd.f32 v21, v13;
	v19 =	vadd.f32 v58, v19  }
0x165: {  	v62 =	vadd.f32 v24, v61;
	v16 =	vadd.f32 v16, v17  }
0x166: {  	v13 =	vadd.f32 v13, v60  }
0x167: {  	v63 =	vld.idx.msk [tilespmem:v59+s22+$0x0], $0xffff;
	v15 =	vadd.f32 v15, v19;
	v16 =	vadd.f32 v16, v62;
	_ =	sdelay $0x1  }
0x168: {  	v13 =	vmax.f32 v13, $0.0e+00;
	v15 =	vadd.f32 v16, v15  }
0x169: {  	v13 =	vmul.f32 v13, v18  }
0x16a: {  	v15 =	vmax.f32 v15, $0.0e+00  }
0x16b: {  	v13 =	vadd.f32 v13, v14;
	v14 =	vmul.f32 v15, v63;
	_ =	sdelay $0x1  }
.Ltmp6:
0x16c: {  	v13 =	vadd.f32 v14, v13;
	(pc) =	sbr.rel @p0 .LBB2_10-.Ltmp6, $4  }
0x16d: {  	_ = 	snop  }
0x16e: {  	s18 =	sshll.u32 s8, $0x5;
	v13 =	vadd.f32 v13, v12  }
0x16f: {  	s12 =	sand.u32 $0x3FFFFFE0, s18  }
0x170: {  	[tilespmem:s12+$0x11400] =	vst v13  }
0x171: {  	_ =	swait.ge [sflag:s10], $0x4000  }
0x172: {  	[sflag:s10] =	ssyncset.done $0x0  }
0x173: {  	[sflag:s10] =	ssyncadd.s32 $0xFFFFC000  }
0x174: {  	_ =	swait.ge [sflag:s11], $0x4000  }
0x175: {  	[sflag:s11] =	ssyncset.done $0x0  }
0x176: {  	[sflag:s11] =	ssyncadd.s32 $0xFFFFC000  }
0x177: {  	_ =	swait.ge [sflag:s29], $0x40  }
0x178: {  	[sflag:s29] =	ssyncset.done $0x0  }
0x179: {  	[sflag:s29] =	ssyncadd.s32 $0xFFFFFFC0  }
0x17a: {  	_ =	swait.ge [sflag:s30], $0x40  }
0x17b: {  	[sflag:s30] =	ssyncset.done $0x0  }
0x17c: {  	[sflag:s30] =	ssyncadd.s32 $0xFFFFFFC0  }
0x17d: {  	_ =	swait.ge [sflag:s31], $0x10  }
0x17e: {  	[sflag:s31] =	ssyncset.done $0x0  }
0x17f: {  	[sflag:s31] =	ssyncadd.s32 $0xFFFFFFF0  }
0x180: {  	v13 =	vld [tilespmem:$0x0];
	_ =	sdelay $0x4  }
0x181: {  	v14 =	vshll.u32 v13, $0x1  }
0x182: {  	v13 =	vand.u32 $0x7, v13;
	v14 =	vand.u32 $0xFFFFFFF0, v14  }
0x183: {  	v13 =	vor.u32 v13, v14  }
0x184: {  	v14 =	vperm.xlane v13, v0;
	_ =	sdelay $0x1  }
0x185: {  	v13 =	vperm.xlane v13, v2;
	v14 =	vadd.s32 v1, v14;
	_ =	sdelay $0x1  }
0x186: {  	v13 =	vadd.s32 v1, v13;
	_ =	sdelay $0x2  }
0x187: {  	[tilespmem:s1], [sflag:$0x7] =	stream.indirect_vreg.gather [hbm4b:s6+s2], $0x80, v14, vm0, $0xb8;
	[tilespmem:$0x13B80] =	vst v63  }
0x188: {  	s12 =	simm.s32 $0xB00  }
0x189: {  	[tilespmem:s12], [sflag:$0x7] =	stream.indirect_vreg.gather [hbm4b:s6+s2], $0x80, v13, vm0, $0xb8;
	[tilespmem:$0x13B80] =	vst v63  }
0x18a: {  	v13 =	vld [tilespmem:$0x10];
	_ =	sdelay $0x4  }
0x18b: {  	v14 =	vshll.u32 v13, $0x1  }
0x18c: {  	v13 =	vand.u32 $0x7, v13;
	v14 =	vand.u32 $0xFFFFFFF0, v14  }
0x18d: {  	v13 =	vor.u32 v13, v14  }
0x18e: {  	v14 =	vperm.xlane v13, v0;
	_ =	sdelay $0x1  }
0x18f: {  	v13 =	vperm.xlane v13, v2;
	v14 =	vadd.s32 v1, v14;
	_ =	sdelay $0x1  }
0x190: {  	v13 =	vadd.s32 v1, v13;
	_ =	sdelay $0x1  }
0x191: {  	s18 =	simm.s32 $0x1300  }
0x192: {  	[tilespmem:s18], [sflag:$0x7] =	stream.indirect_vreg.gather [hbm4b:s6+s2], $0x80, v14, vm0, $0xb8;
	[tilespmem:$0x13B80] =	vst v63  }
0x193: {  	s13 =	simm.s32 $0x1B00  }
0x194: {  	[tilespmem:s13], [sflag:$0x7] =	stream.indirect_vreg.gather [hbm4b:s6+s2], $0x80, v13, vm0, $0xb8;
	[tilespmem:$0x13B80] =	vst v63  }
0x195: {  	v13 =	vld [tilespmem:$0x20];
	_ =	sdelay $0x4  }
0x196: {  	v14 =	vshll.u32 v13, $0x1  }
0x197: {  	v13 =	vand.u32 $0x7, v13;
	v14 =	vand.u32 $0xFFFFFFF0, v14  }
0x198: {  	v13 =	vor.u32 v13, v14  }
0x199: {  	v14 =	vperm.xlane v13, v0;
	_ =	sdelay $0x1  }
0x19a: {  	v13 =	vperm.xlane v13, v2;
	v14 =	vadd.s32 v1, v14;
	_ =	sdelay $0x1  }
0x19b: {  	v13 =	vadd.s32 v1, v13;
	_ =	sdelay $0x1  }
0x19c: {  	s14 =	simm.s32 $0x2300  }
0x19d: {  	[tilespmem:s14], [sflag:$0x7] =	stream.indirect_vreg.gather [hbm4b:s6+s2], $0x80, v14, vm0, $0xb8;
	[tilespmem:$0x13B80] =	vst v63  }
0x19e: {  	s15 =	simm.s32 $0x2B00  }
0x19f: {  	[tilespmem:s15], [sflag:$0x7] =	stream.indirect_vreg.gather [hbm4b:s6+s2], $0x80, v13, vm0, $0xb8;
	[tilespmem:$0x13B80] =	vst v63  }
0x1a0: {  	v13 =	vld [tilespmem:$0x30];
	_ =	sdelay $0x4  }
0x1a1: {  	v14 =	vshll.u32 v13, $0x1  }
0x1a2: {  	v13 =	vand.u32 $0x7, v13;
	v14 =	vand.u32 $0xFFFFFFF0, v14  }
0x1a3: {  	v13 =	vor.u32 v13, v14  }
0x1a4: {  	v14 =	vperm.xlane v13, v0;
	_ =	sdelay $0x1  }
0x1a5: {  	v13 =	vperm.xlane v13, v2;
	v14 =	vadd.s32 v1, v14;
	_ =	sdelay $0x1  }
0x1a6: {  	v13 =	vadd.s32 v1, v13;
	_ =	sdelay $0x1  }
0x1a7: {  	s18 =	simm.s32 $0x3300  }
0x1a8: {  	[tilespmem:s18], [sflag:$0x7] =	stream.indirect_vreg.gather [hbm4b:s6+s2], $0x80, v14, vm0, $0xb8;
	[tilespmem:$0x13B80] =	vst v63  }
0x1a9: {  	s13 =	simm.s32 $0x3B00  }
0x1aa: {  	[tilespmem:s13], [sflag:$0x7] =	stream.indirect_vreg.gather [hbm4b:s6+s2], $0x80, v13, vm0, $0xb8;
	[tilespmem:$0x13B80] =	vst v63  }
0x1ab: {  	v13 =	vld [tilespmem:$0x100];
	_ =	sdelay $0x4  }
0x1ac: {  	v14 =	vshll.u32 v13, $0x1  }
0x1ad: {  	v13 =	vand.u32 $0x7, v13;
	v14 =	vand.u32 $0xFFFFFFF0, v14  }
0x1ae: {  	v13 =	vor.u32 v13, v14  }
0x1af: {  	v14 =	vperm.xlane v13, v0;
	_ =	sdelay $0x1  }
0x1b0: {  	v13 =	vperm.xlane v13, v2;
	v14 =	vadd.s32 v1, v14;
	_ =	sdelay $0x1  }
0x1b1: {  	v13 =	vadd.s32 v1, v13;
	_ =	sdelay $0x2  }
0x1b2: {  	[tilespmem:s9], [sflag:$0x9] =	stream.indirect_vreg.gather [hbm4b:s7+s2], $0x80, v14, vm0, $0xb8;
	[tilespmem:$0x13B80] =	vst v63  }
0x1b3: {  	s14 =	simm.s32 $0x8B00  }
0x1b4: {  	[tilespmem:s14], [sflag:$0x9] =	stream.indirect_vreg.gather [hbm4b:s7+s2], $0x80, v13, vm0, $0xb8;
	[tilespmem:$0x13B80] =	vst v63  }
0x1b5: {  	v13 =	vld [tilespmem:$0x110];
	_ =	sdelay $0x4  }
0x1b6: {  	v14 =	vshll.u32 v13, $0x1  }
0x1b7: {  	v13 =	vand.u32 $0x7, v13;
	v14 =	vand.u32 $0xFFFFFFF0, v14  }
0x1b8: {  	v13 =	vor.u32 v13, v14  }
0x1b9: {  	v14 =	vperm.xlane v13, v0;
	_ =	sdelay $0x1  }
0x1ba: {  	v13 =	vperm.xlane v13, v2;
	v14 =	vadd.s32 v1, v14;
	_ =	sdelay $0x1  }
0x1bb: {  	v13 =	vadd.s32 v1, v13;
	_ =	sdelay $0x1  }
0x1bc: {  	s15 =	simm.s32 $0x9300  }
0x1bd: {  	[tilespmem:s15], [sflag:$0x9] =	stream.indirect_vreg.gather [hbm4b:s7+s2], $0x80, v14, vm0, $0xb8;
	[tilespmem:$0x13B80] =	vst v63  }
0x1be: {  	s18 =	simm.s32 $0x9B00  }
0x1bf: {  	[tilespmem:s18], [sflag:$0x9] =	stream.indirect_vreg.gather [hbm4b:s7+s2], $0x80, v13, vm0, $0xb8;
	[tilespmem:$0x13B80] =	vst v63  }
0x1c0: {  	v13 =	vld [tilespmem:$0x120];
	_ =	sdelay $0x4  }
0x1c1: {  	v14 =	vshll.u32 v13, $0x1  }
0x1c2: {  	v13 =	vand.u32 $0x7, v13;
	v14 =	vand.u32 $0xFFFFFFF0, v14  }
0x1c3: {  	v13 =	vor.u32 v13, v14  }
0x1c4: {  	v14 =	vperm.xlane v13, v0;
	_ =	sdelay $0x1  }
0x1c5: {  	v13 =	vperm.xlane v13, v2;
	v14 =	vadd.s32 v1, v14;
	_ =	sdelay $0x1  }
0x1c6: {  	v13 =	vadd.s32 v1, v13;
	_ =	sdelay $0x1  }
0x1c7: {  	s13 =	simm.s32 $0xA300  }
0x1c8: {  	[tilespmem:s13], [sflag:$0x9] =	stream.indirect_vreg.gather [hbm4b:s7+s2], $0x80, v14, vm0, $0xb8;
	[tilespmem:$0x13B80] =	vst v63  }
0x1c9: {  	s14 =	simm.s32 $0xAB00  }
0x1ca: {  	[tilespmem:s14], [sflag:$0x9] =	stream.indirect_vreg.gather [hbm4b:s7+s2], $0x80, v13, vm0, $0xb8;
	[tilespmem:$0x13B80] =	vst v63  }
0x1cb: {  	v13 =	vld [tilespmem:$0x130];
	_ =	sdelay $0x4  }
0x1cc: {  	v14 =	vshll.u32 v13, $0x1  }
0x1cd: {  	v13 =	vand.u32 $0x7, v13;
	v14 =	vand.u32 $0xFFFFFFF0, v14  }
0x1ce: {  	v13 =	vor.u32 v13, v14  }
0x1cf: {  	v14 =	vperm.xlane v13, v0;
	_ =	sdelay $0x1  }
0x1d0: {  	v13 =	vperm.xlane v13, v2;
	v14 =	vadd.s32 v1, v14;
	_ =	sdelay $0x1  }
0x1d1: {  	p0 =	sgt.u32 s8, $0x136;
	v13 =	vadd.s32 v1, v13  }
0x1d2: {  	s12 =	sshll.u32 @!p0 s8, $0x5  }
0x1d3: {  	s12 =	sadd.s32 @!p0 s12, s17;
	s15 =	simm.s32 $0xB300  }
0x1d4: {  	[tilespmem:s15], [sflag:$0x9] =	stream.indirect_vreg.gather [hbm4b:s7+s2], $0x80, v14, vm0, $0xb8;
	[tilespmem:$0x13B80] =	vst v63  }
0x1d5: {  	s18 =	simm.s32 $0xBB00;
	s13 =	sshrl.u32 @!p0 s12, $0x1  }
0x1d6: {  	[tilespmem:s18], [sflag:$0x9] =	stream.indirect_vreg.gather [hbm4b:s7+s2], $0x80, v13, vm0, $0xb8;
	[tilespmem:$0x13B80] =	vst v63  }
0x1d7: {  	s14 =	sadd.s32 @!p0 s4, s13;
	s15 =	simm.s32 @!p0 $0x0;
	s18 =	simm.s32 @!p0 $0x80  }
0x1d8: {  	[tilespmem:s18], [sflag:$0x2] =	stream.linear.gather @!p0 [hbm4b:s14+s15], $0x40, $0x38;
	[tilespmem:$0x13B80] =	vst v63  }
0x1d9: {  	s18 =	simm.s32 $0x0  }
0x1da: {  	s12 =	sshrl.u32 @!p0 s12, $0x3;
	s13 =	sadd.s32 @!p0 s5, s13;
	s14 =	simm.s32 @!p0 $0x180;
	v19 =	vor.u32 s18, v11  }
0x1db: {  	v14 =	vor.u32 s18, v8;
	[tilespmem:s14], [sflag:$0x4] =	stream.linear.gather @!p0 [hbm4b:s13+s15], $0x40, $0x38;
	[tilespmem:$0x13B80] =	vst v63  }
0x1dc: {  	s12 =	sadd.s32 @!p0 s0, s12;
	s13 =	simm.s32 @!p0 $0x280  }
0x1dd: {  	v15 =	vor.u32 s18, v9;
	[tilespmem:s13], [sflag:$0x6] =	stream.linear.gather @!p0 [hbm4b:s12+s15], $0x10, $0x38;
	[tilespmem:$0x13B80] =	vst v63  }
0x1de: {  	v18 =	vor.u32 s18, v6;
	v16 =	vld [tilespmem:$0x280]  }
0x1df: {  	v17 =	vor.u32 s18, v4;
	v13 =	vld.idx.msk [tilespmem:v19+s25+$0x0], $0xffff  }
0x1e0: {  	v28 =	vld.idx.msk [tilespmem:v14+s26+$0x0], $0xffff  }
0x1e1: {  	v20 =	vor.u32 s18, v5;
	v24 =	vld.idx.msk [tilespmem:v14+s25+$0x0], $0xffff  }
0x1e2: {  	v25 =	vld.idx.msk [tilespmem:v15+s25+$0x0], $0xffff  }
0x1e3: {  	v22 =	vor.u32 s18, v7;
	v21 =	vld.idx.msk [tilespmem:v18+s25+$0x0], $0xffff  }
0x1e4: {  	v23 =	vld.idx.msk [tilespmem:v17+s25+$0x0], $0xffff;
	v14 =	vshll.u32 v16, $0x8;
	v16 =	vshll.u32 v16, $0x7  }
0x1e5: {  	v26 =	vld.idx.msk [tilespmem:v17+s26+$0x0], $0xffff;
	v14 =	vand.u32 $0xFFFFF800, v14;
	v16 =	vand.u32 $0x380, v16  }
0x1e6: {  	v16 =	vor.u32 v16, v14;
	v14 =	vld.idx.msk [tilespmem:v20+s25+$0x0], $0xffff  }
0x1e7: {  	v20 =	vld.idx.msk [tilespmem:v20+s26+$0x0], $0xffff;
	v27 =	vor.u32 s18, v16  }
0x1e8: {  	v30 =	vor.u32 s18, v10;
	v29 =	vld.idx.msk [tilespmem:v22+s25+$0x0], $0xffff  }
0x1e9: {  	v18 =	vld.idx.msk [tilespmem:v18+s26+$0x0], $0xffff  }
0x1ea: {  	v31 =	vld.idx.msk [tilespmem:v22+s26+$0x0], $0xffff;
	v17 =	vor.u32 $0x400, v16  }
0x1eb: {  	s12 =	simm.s32 $0x1;
	v33 =	vld.idx.msk [tilespmem:v15+s26+$0x0], $0xffff;
	v22 =	vor.u32 s18, v17;
	v14 =	vadd.f32 v14, v23  }
0x1ec: {  	v15 =	vor.u32 s12, v11;
	v20 =	vadd.f32 v20, v26;
	v27 =	vld.idx.msk [tilespmem:v27+s20+$0x0], $0xffff  }
0x1ed: {  	v32 =	vmov s18;
	v34 =	vld.idx.msk [tilespmem:v30+s25+$0x0], $0xffff;
	v14 =	vadd.f32 v21, v14  }
0x1ee: {  	v26 =	vor.u32 s12, v8;
	v23 =	vld.idx.msk [tilespmem:v30+s26+$0x0], $0xffff;
	v20 =	vadd.f32 v18, v20  }
0x1ef: {  	v30 =	vadd.f32 v25, v24;
	v25 =	vld.idx.msk [tilespmem:v19+s26+$0x0], $0xffff;
	v29 =	vadd.f32 v29, v14  }
0x1f0: {  	v21 =	vld.idx.msk [tilespmem:v22+s20+$0x0], $0xffff;
	v63 =	vadd.f32 v31, v20;
	v20 =	vor.u32 s12, v9  }
0x1f1: {  	v24 =	vld.idx.msk [tilespmem:v15+s25+$0x0], $0xffff;
	v22 =	vor.u32 s12, v6;
	v35 =	vmul.f32 v27, v29  }
0x1f2: {  	v18 =	vld.idx.msk [tilespmem:v32+s22+$0x0], $0xffff;
	v14 =	vimm.f32 $0.0e+00;
	v27 =	vor.u32 s12, v4;
	v29 =	vadd.f32 v33, v28  }
0x1f3: {  	s13 =	simm.s32 $0x2;
	v31 =	vadd.f32 v34, v30;
	v19 =	vld.idx.msk [tilespmem:v26+s26+$0x0], $0xffff;
	v28 =	vor.u32 s12, v5;
	v30 =	vmul.f32 v35, v63  }
.LBB2_8:
0x1f4: {  	p0 =	sne.s32 s13, $0x7F;
	v32 =	vld.idx.msk [tilespmem:v26+s25+$0x0], $0xffff;
	v23 =	vadd.f32 v23, v29  }
0x1f5: {  	v29 =	vld.idx.msk [tilespmem:v20+s25+$0x0], $0xffff;
	v33 =	vadd.f32 v13, v31;
	v21 =	vadd.f32 v30, v21  }
0x1f6: {  	v30 =	vor.u32 s12, v7;
	v26 =	vld.idx.msk [tilespmem:v22+s25+$0x0], $0xffff  }
0x1f7: {  	v23 =	vadd.f32 v25, v23;
	v31 =	vld.idx.msk [tilespmem:v27+s25+$0x0], $0xffff;
	v21 =	vadd.f32 v21, v33  }
0x1f8: {  	v13 =	vmov v24;
	v25 =	vld.idx.msk [tilespmem:v28+s25+$0x0], $0xffff  }
0x1f9: {  	v24 =	vld.idx.msk [tilespmem:v27+s26+$0x0], $0xffff;
	v27 =	vor.u32 s12, v16;
	v21 =	vadd.f32 v21, v23  }
0x1fa: {  	v23 =	vld.idx.msk [tilespmem:v28+s26+$0x0], $0xffff  }
0x1fb: {  	v33 =	vor.u32 s12, v10;
	v28 =	vld.idx.msk [tilespmem:v30+s25+$0x0], $0xffff;
	v21 =	vmax.f32 v21, $0.0e+00  }
0x1fc: {  	v22 =	vld.idx.msk [tilespmem:v22+s26+$0x0], $0xffff;
	v18 =	vmul.f32 v21, v18  }
0x1fd: {  	v21 =	vor.u32 s12, v17;
	v30 =	vld.idx.msk [tilespmem:v30+s26+$0x0], $0xffff  }
0x1fe: {  	v34 =	vmov s12;
	s12 =	smov.u32 s13;
	v25 =	vadd.f32 v25, v31;
	v27 =	vld.idx.msk [tilespmem:v27+s20+$0x0], $0xffff;
	v14 =	vadd.f32 v18, v14  }
0x1ff: {  	v31 =	vld.idx.msk [tilespmem:v20+s26+$0x0], $0xffff  }
0x200: {  	v35 =	vor.u32 s13, v11;
	v18 =	vadd.f32 v26, v25;
	v20 =	vadd.f32 v23, v24;
	v36 =	vld.idx.msk [tilespmem:v33+s25+$0x0], $0xffff  }
0x201: {  	v26 =	vor.u32 s13, v8;
	v23 =	vld.idx.msk [tilespmem:v33+s26+$0x0], $0xffff  }
.Ltmp7:
0x202: {  	v24 =	vadd.f32 v28, v18;
	v25 =	vadd.f32 v22, v20;
	v21 =	vld.idx.msk [tilespmem:v21+s20+$0x0], $0xffff;
	(pc) =	sbr.rel @p0 .LBB2_8-.Ltmp7, $4  }
0x203: {  	v22 =	vor.u32 s13, v6;
	v20 =	vor.u32 s13, v9;
	v18 =	vld.idx.msk [tilespmem:v34+s22+$0x0], $0xffff  }
0x204: {  	v32 =	vadd.f32 v29, v32;
	v30 =	vadd.f32 v30, v25;
	v33 =	vmul.f32 v27, v24;
	v25 =	vld.idx.msk [tilespmem:v15+s26+$0x0], $0xffff  }
0x205: {  	v27 =	vor.u32 s13, v4;
	v29 =	vadd.f32 v31, v19;
	v15 =	vmov v35;
	v24 =	vld.idx.msk [tilespmem:v35+s25+$0x0], $0xffff  }
0x206: {  	v28 =	vor.u32 s12, v5;
	s13 =	sadd.s32 $0x1, s13;
	v31 =	vadd.f32 v36, v32;
	v30 =	vmul.f32 v33, v30;
	v19 =	vld.idx.msk [tilespmem:v26+s26+$0x0], $0xffff  }
0x207: {  	_ =	sdelay $0x3  }
0x208: {  	v26 =	vld.idx.msk [tilespmem:v26+s25+$0x0], $0xffff  }
0x209: {  	v32 =	vld.idx.msk [tilespmem:v20+s25+$0x0], $0xffff  }
0x20a: {  	v33 =	vld.idx.msk [tilespmem:v22+s25+$0x0], $0xffff  }
0x20b: {  	v34 =	vor.u32 s12, v7;
	v35 =	vld.idx.msk [tilespmem:v27+s25+$0x0], $0xffff  }
0x20c: {  	v36 =	vld.idx.msk [tilespmem:v28+s25+$0x0], $0xffff  }
0x20d: {  	v53 =	vld.idx.msk [tilespmem:v27+s26+$0x0], $0xffff;
	v16 =	vor.u32 s12, v16  }
0x20e: {  	v54 =	vld.idx.msk [tilespmem:v28+s26+$0x0], $0xffff  }
0x20f: {  	v38 =	vor.u32 s12, v10;
	v55 =	vld.idx.msk [tilespmem:v22+s26+$0x0], $0xffff  }
0x210: {  	v37 =	vld.idx.msk [tilespmem:v34+s25+$0x0], $0xffff  }
0x211: {  	v17 =	vor.u32 s12, v17;
	v35 =	vadd.f32 v36, v35;
	v34 =	vld.idx.msk [tilespmem:v34+s26+$0x0], $0xffff  }
0x212: {  	v16 =	vld.idx.msk [tilespmem:v16+s20+$0x0], $0xffff  }
0x213: {  	v56 =	vld.idx.msk [tilespmem:v20+s26+$0x0], $0xffff;
	v27 =	vadd.f32 v54, v53;
	v33 =	vadd.f32 v33, v35  }
0x214: {  	v57 =	vld.idx.msk [tilespmem:v38+s25+$0x0], $0xffff  }
0x215: {  	v58 =	vld.idx.msk [tilespmem:v38+s26+$0x0], $0xffff;
	v22 =	vadd.f32 v55, v27;
	v33 =	vadd.f32 v37, v33  }
0x216: {  	v23 =	vadd.f32 v23, v29;
	v13 =	vadd.f32 v13, v31;
	v17 =	vld.idx.msk [tilespmem:v17+s20+$0x0], $0xffff  }
0x217: {  	v26 =	vadd.f32 v32, v26;
	v22 =	vadd.f32 v34, v22;
	v16 =	vmul.f32 v16, v33  }
0x218: {  	v59 =	vmov s12;
	v15 =	vld.idx.msk [tilespmem:v15+s26+$0x0], $0xffff;
	v21 =	vadd.f32 v30, v21;
	v19 =	vadd.f32 v56, v19  }
0x219: {  	v60 =	vadd.f32 v25, v23;
	v61 =	vadd.f32 v57, v26;
	v16 =	vmul.f32 v16, v22  }
0x21a: {  	v13 =	vadd.f32 v21, v13;
	v19 =	vadd.f32 v58, v19  }
0x21b: {  	v62 =	vadd.f32 v24, v61;
	v16 =	vadd.f32 v16, v17  }
0x21c: {  	v13 =	vadd.f32 v13, v60  }
0x21d: {  	v63 =	vld.idx.msk [tilespmem:v59+s22+$0x0], $0xffff;
	v15 =	vadd.f32 v15, v19;
	v16 =	vadd.f32 v16, v62;
	_ =	sdelay $0x1  }
0x21e: {  	v13 =	vmax.f32 v13, $0.0e+00;
	v15 =	vadd.f32 v16, v15  }
0x21f: {  	v13 =	vmul.f32 v13, v18  }
0x220: {  	v15 =	vmax.f32 v15, $0.0e+00  }
0x221: {  	v13 =	vadd.f32 v13, v14;
	v14 =	vmul.f32 v15, v63;
	_ =	sdelay $0x1  }
.Ltmp8:
0x222: {  	v13 =	vadd.f32 v14, v13;
	(pc) =	sbr.rel .LBB2_10-.Ltmp8, $4  }
0x223: {  	_ = 	snop  }
0x224: {  	s28 =	sshll.u32 s28, $0x4;
	v13 =	vadd.f32 v13, v12  }
0x225: {  	s12 =	sand.u32 $0x3FFFFFF0, s28  }
0x226: {  	[tilespmem:s12+$0x11400] =	vst v13  }
.LBB2_12:
0x227: {  	_ =	sfence.sel $0x180000  }
0x228: {  	[bflag:$0x0] =	sbarrier.arrive $0xFFFF  }
0x229: {  	_ =	strace $0x90000047  }
0x22a: {  	s0 =	stileid.u32;
	[bflag:$0x2] =	sbarrier.arrive $0xFFFF  }
0x22b: {  	p0 =	sne.s32 s0, $0x0;
	s0 =	rddreg [dreg:$0x3]  }
0x22c: {  	s0 =	sadd.s32 @!p0 $0x100000, s0  }
0x22d: {  	[sflag:s0] =	ssyncadd.tile.s32 @!p0 $0x1;
	_ =	shalt  }
.Lfunc_end2:
_tile_overlayer_lowered:
.L_overlay_start_2:
0x22e: {  	(tag) =	ssettag $0x2  }
0x22f: {  	s0 =	rddreg [dreg:$0x0];
	s2 =	stileid.u32  }
0x230: {  	s1 =	rddreg [dreg:$0x1];
	p0 =	sne.s32 s2, $0x0  }
0x231: {  	s3 =	rddreg [dreg:$0x2];
	[bflag:$0x3] =	sbarrier.arrive $0xFFFF;
	s2 =	simm.s32 @!p0 $0x1C0B  }
0x232: {  	[timem:s3], [sflag:s2] =	dma.local @!p0 [hbm:s0], s1  }
0x233: {  	s0 =	simm.s32 @!p0 $0xB  }
0x234: {  	_ =	swait.ge @!p0 [sflag:s0], s1  }
0x235: {  	s1 =	ssub.s32 @!p0 $0x0, s1;
	[sflag:s0] =	ssyncset.done @!p0 $0x0  }
0x236: {  	[sflag:s0] =	ssyncadd.s32 @!p0 s1  }
0x237: {  	[bflag:$0x3] =	sbarrier.arrive $0xFFFF  }
0x238: {  	_ =	shalt  }

</sc_bundles>
